<compile_context>
chip_gen: v7x
topology: tpu7x:2x2x1
jax: 0.10.2.dev20260603
libtpu: 0.0.44.dev20260713+nightly
codegen_flags: <defaults>
</compile_context>

<pallas_src>
import functools

import jax
import jax.numpy as jnp
from jax import lax
from jax.experimental import pallas as pl
from jax.experimental.pallas import tpu as pltpu
from jax.experimental.pallas import tpu_sc as plsc

_NC = 2
_NS = 16
_NW = _NC * _NS
_L = 16
_C = 125


def _stage1_body(nodes_ref, enc_W_ref, enc_b_ref, emb_W_ref, emb_b_ref,
                 vodes_ref, embed_ref):
    x = nodes_ref[...]
    vodes_ref[...] = jnp.maximum(
        jnp.dot(x, enc_W_ref[...], preferred_element_type=jnp.float32)
        + enc_b_ref[...], 0.0)
    embed_ref[...] = (
        jnp.dot(x, emb_W_ref[...], preferred_element_type=jnp.float32)
        + emb_b_ref[...])


def _stage1(nodes, enc_W, enc_b, emb_W, emb_b):
    n, d = nodes.shape
    rows = 1000 if n % 1000 == 0 else n
    grid = n // rows
    de = enc_W.shape[1]
    dm = emb_W.shape[1]
    return pl.pallas_call(
        _stage1_body,
        grid=(grid,),
        in_specs=[
            pl.BlockSpec((rows, d), lambda i: (i, 0)),
            pl.BlockSpec((d, de), lambda i: (0, 0)),
            pl.BlockSpec((1, de), lambda i: (0, 0)),
            pl.BlockSpec((d, dm), lambda i: (0, 0)),
            pl.BlockSpec((1, dm), lambda i: (0, 0)),
        ],
        out_specs=[
            pl.BlockSpec((rows, de), lambda i: (i, 0)),
            pl.BlockSpec((rows, dm), lambda i: (i, 0)),
        ],
        out_shape=[
            jax.ShapeDtypeStruct((n, de), jnp.float32),
            jax.ShapeDtypeStruct((n, dm), jnp.float32),
        ],
    )(nodes, enc_W, enc_b.reshape(1, de), emb_W, emb_b.reshape(1, dm))


def _sc_body(n, de, n_chunks, vodes_hbm, s2d_hbm, r2d_hbm, out_hbm,
             sbuf, rbuf, rows_v0, rows_v1, zbuf, acc_sh, vodes_sh,
             sem0, sem1):
    cid = lax.axis_index("c")
    sid = lax.axis_index("s")
    wid = sid * _NC + cid
    rows_lo = (n // _NS) // 8 * 8
    tail = n - _NS * rows_lo
    base = sid * rows_lo

    pltpu.sync_copy(s2d_hbm.at[pl.ds(wid * n_chunks, n_chunks)], sbuf)
    pltpu.sync_copy(r2d_hbm.at[pl.ds(wid * n_chunks, n_chunks)], rbuf)

    pltpu.sync_copy(vodes_hbm.at[pl.ds(base, rows_lo)],
                    vodes_sh.at[pl.ds(base, rows_lo)])

    @pl.when(sid == _NS - 1)
    def _():
        pltpu.sync_copy(vodes_hbm.at[pl.ds(_NS * rows_lo, tail)],
                        vodes_sh.at[pl.ds(_NS * rows_lo, tail)])

    def zero_body(i, _):
        zbuf[i, pl.ds(0, _L)] = jnp.zeros((_L,), jnp.float32)
        zbuf[i, pl.ds(_L, _L)] = jnp.zeros((_L,), jnp.float32)
        return 0

    lax.fori_loop(0, rows_lo, zero_body, 0)
    pltpu.sync_copy(zbuf, acc_sh.at[pl.ds(base, rows_lo)])

    @pl.when(sid == _NS - 1)
    def _():
        pltpu.sync_copy(zbuf.at[pl.ds(0, tail)],
                        acc_sh.at[pl.ds(_NS * rows_lo, tail)])

    plsc.subcore_barrier()

    n_pairs = n_chunks // 2

    def chunk_body(k, _):
        j0 = 2 * k
        j1 = j0 + 1
        pltpu.make_async_copy(vodes_sh.at[sbuf.at[j0]], rows_v0, sem0).wait()
        pltpu.async_copy(vodes_sh.at[sbuf.at[j1]], rows_v1, sem1)
        pltpu.sync_copy(rows_v0, acc_sh.at[rbuf.at[j0]], add=True)
        pltpu.make_async_copy(vodes_sh.at[sbuf.at[j1]], rows_v1, sem1).wait()
        pltpu.async_copy(vodes_sh.at[sbuf.at[j0 + 2]], rows_v0, sem0)
        pltpu.sync_copy(rows_v1, acc_sh.at[rbuf.at[j1]], add=True)
        return 0

    pltpu.async_copy(vodes_sh.at[sbuf.at[0]], rows_v0, sem0)
    lax.fori_loop(0, n_pairs - 1, chunk_body, 0)
    jl = n_chunks - 2
    pltpu.make_async_copy(vodes_sh.at[sbuf.at[jl]], rows_v0, sem0).wait()
    pltpu.async_copy(vodes_sh.at[sbuf.at[jl + 1]], rows_v1, sem1)
    pltpu.sync_copy(rows_v0, acc_sh.at[rbuf.at[jl]], add=True)
    pltpu.make_async_copy(vodes_sh.at[sbuf.at[jl + 1]], rows_v1, sem1).wait()
    pltpu.sync_copy(rows_v1, acc_sh.at[rbuf.at[jl + 1]], add=True)
    plsc.subcore_barrier()
    pltpu.sync_copy(acc_sh.at[pl.ds(base, rows_lo)],
                    out_hbm.at[cid, pl.ds(base, rows_lo)])

    @pl.when(sid == _NS - 1)
    def _():
        pltpu.sync_copy(acc_sh.at[pl.ds(_NS * rows_lo, tail)],
                        out_hbm.at[cid, pl.ds(_NS * rows_lo, tail)])


def _stage2(vodes, senders, receivers):
    n, de = vodes.shape
    e = senders.shape[0]
    n_chunks = e // (_NW * _C)
    s2d = senders.reshape(_NW * n_chunks, _C)
    r2d = receivers.reshape(_NW * n_chunks, _C)
    mesh = plsc.VectorSubcoreMesh(core_axis_name="c", subcore_axis_name="s")
    return pl.kernel(
        functools.partial(_sc_body, n, de, n_chunks),
        out_type=jax.ShapeDtypeStruct((_NC, n, de), jnp.float32),
        mesh=mesh,
        compiler_params=pltpu.CompilerParams(needs_layout_passes=False,
                                             use_tc_tiling_on_sc=False),
        scratch_types=[
            pltpu.VMEM((n_chunks, _C), jnp.int32),
            pltpu.VMEM((n_chunks, _C), jnp.int32),
            pltpu.VMEM((_C, de), jnp.float32),
            pltpu.VMEM((_C, de), jnp.float32),
            pltpu.VMEM(((n // _NS) // 8 * 8, de), jnp.float32),
            pltpu.VMEM_SHARED((n, de), jnp.float32),
            pltpu.VMEM_SHARED((n, de), jnp.float32),
            pltpu.SemaphoreType.DMA,
            pltpu.SemaphoreType.DMA,
        ],
    )(vodes, s2d, r2d)


def _stage3_body(vodes_ref, partials_ref, embed_ref, lastcol_ref, infw_ref,
                 infb_ref, w1_ref, b1_ref, w2_ref, b2_ref, wy_ref, by_ref,
                 wx_ref, bx_ref, logits_ref, value_ref):
    msg = partials_ref[0] + partials_ref[1]
    vodc = jnp.concatenate([vodes_ref[...] + msg, lastcol_ref[...]],
                           axis=1)
    influence = (jnp.dot(vodc, infw_ref[...],
                         preferred_element_type=jnp.float32)
                 + infb_ref[...])
    m = jnp.max(influence)
    w = jnp.exp(influence - m)
    att = w / jnp.sum(w)
    gr = jnp.sum(embed_ref[...] * att, axis=0,
                 keepdims=True)
    grc = jnp.transpose(gr)
    x = jnp.maximum(
        jnp.sum(w1_ref[...] * grc, axis=0, keepdims=True)
        + b1_ref[...], 0.0)
    xc = jnp.transpose(x)
    y = jnp.maximum(
        jnp.sum(w2_ref[...] * xc, axis=0, keepdims=True)
        + b2_ref[...], 0.0)
    yc = jnp.transpose(y)
    value_ref[...] = (jnp.sum(yc * wy_ref[...], axis=0, keepdims=True)
                      + by_ref[...])
    logits_ref[...] = (jnp.sum(yc * wx_ref[...], axis=0, keepdims=True)
                       + bx_ref[...]) / 10.0


def _stage3(vodes, partials, embed, lastcol, inf_W, inf_b,
            act_W1, act_b1, act_W2, act_b2, act_Wy, act_by, act_Wx, act_bx):
    return pl.pallas_call(
        _stage3_body,
        out_shape=[
            jax.ShapeDtypeStruct((1, 4), jnp.float32),
            jax.ShapeDtypeStruct((1, 1), jnp.float32),
        ],
    )(vodes, partials, embed, lastcol, inf_W, inf_b.reshape(1, 1),
      act_W1, act_b1.reshape(1, -1), act_W2, act_b2.reshape(1, -1),
      act_Wy, act_by.reshape(1, -1), act_Wx, act_bx.reshape(1, -1))


def kernel(nodes, senders, receivers, n_node, enc_W, enc_b, emb_W, emb_b,
           inf_W, inf_b, act_W1, act_b1, act_W2, act_b2, act_Wy, act_by,
           act_Wx, act_bx):
    vodes, embed = _stage1(nodes, enc_W, enc_b, emb_W, emb_b)
    partials = _stage2(vodes,
                       senders.astype(jnp.int32),
                       receivers.astype(jnp.int32))
    logits, value = _stage3(vodes, partials, embed, nodes[:, -1:],
                            inf_W, inf_b, act_W1, act_b1, act_W2, act_b2,
                            act_Wy, act_by, act_Wx, act_bx)
    return logits.reshape(4), value.reshape(1)

# --- scband reference (transcript-rebuilt; emitter-appended) ---
"""Pipeline reference for scband-graph-net2-10316511445510 (READ-ONLY COPY).

The authoritative reference and input builder live on the scoring server;
editing this copy changes nothing except your own understanding.
"""

import jax, jax.numpy as jnp
import numpy as np

N = 10000
E = 320000
D = 128

def _dense_w(k, fin, fout):
    return (jax.random.normal(k, (fin, fout), dtype=jnp.float32) / jnp.sqrt(float(fin))).astype(jnp.float32)

def setup_inputs(seed: int = 0) -> dict:
    key = jax.random.key(seed)
    ks = jax.random.split(key, 12)
    inp = {}
    inp["nodes"] = jax.random.normal(ks[0], (N, D), dtype=jnp.float32)
    inp["senders"] = jax.random.randint(ks[1], (E,), 0, N)
    inp["receivers"] = jax.random.randint(ks[2], (E,), 0, N)
    inp["n_node"] = N
    inp["enc_W"] = _dense_w(ks[3], D, 32); inp["enc_b"] = jnp.zeros((32,), jnp.float32)
    inp["emb_W"] = _dense_w(ks[4], D, 12); inp["emb_b"] = jnp.zeros((12,), jnp.float32)
    inp["inf_W"] = _dense_w(ks[5], 33, 1); inp["inf_b"] = jnp.zeros((1,), jnp.float32)
    inp["act_W1"] = _dense_w(ks[6], 12, 128); inp["act_b1"] = jnp.zeros((128,), jnp.float32)
    inp["act_W2"] = _dense_w(ks[7], 128, 128); inp["act_b2"] = jnp.zeros((128,), jnp.float32)
    inp["act_Wy"] = _dense_w(ks[8], 128, 1); inp["act_by"] = jnp.zeros((1,), jnp.float32)
    inp["act_Wx"] = _dense_w(ks[9], 128, 4); inp["act_bx"] = jnp.zeros((4,), jnp.float32)
    return inp

def reference(nodes, senders, receivers, n_node, enc_W, enc_b, emb_W, emb_b, inf_W, inf_b, act_W1, act_b1, act_W2, act_b2, act_Wy, act_by, act_Wx, act_bx):
    # EncodeNet: Dense(32) + relu
    vodes = jax.nn.relu(nodes @ enc_W + enc_b)
    # compute_pure_message: gather by senders, segment_sum by receivers, residual add
    send_messages = vodes[senders]
    message = jax.ops.segment_sum(send_messages, receivers, num_segments=nodes.shape[0])
    vodes = vodes + message + jnp.zeros((), vodes.dtype) * n_node
    # concat last raw node feature column
    vodes = jnp.concatenate([vodes, nodes[:, -1:]], axis=1)
    # InfluenceNet: Dense(1), softmax over nodes (axis=0)
    influence = vodes @ inf_W + inf_b
    attention = jax.nn.softmax(influence, axis=0)
    # EmbedNet: Dense(12); attention-weighted sum over nodes
    embed = nodes @ emb_W + emb_b
    graph_representation = jnp.sum(embed * attention, axis=0)
    # ActNet
    x = jax.nn.relu(graph_representation @ act_W1 + act_b1)
    x = jax.nn.relu(x @ act_W2 + act_b2)
    value = x @ act_Wy + act_by
    logits = x @ act_Wx + act_bx
    return (logits / 10.0, value)

if __name__ == "__main__":
    import jax
    _d = setup_inputs()
    print(jax.jit(kernel)(*tuple(_d.values())))

</pallas_src>

<mosaic_0001>
#map = affine_map<(d0, d1) -> (0, 0)>
#map1 = affine_map<(d0, d1) -> (0, 0, 0)>
module attributes {stable_mosaic.version = 14 : i64} {
  func.func @_sc_body(%arg0: i32, %arg1: i32, %arg2: memref<10000x32xf32, #tpu.memory_space<hbm>>, %arg3: memref<2560x125xi32, #tpu.memory_space<hbm>>, %arg4: memref<2560x125xi32, #tpu.memory_space<hbm>>, %arg5: memref<2x10000x32xf32, #tpu.memory_space<hbm>>, %arg6: memref<80x125xi32, #tpu.memory_space<vmem>>, %arg7: memref<80x125xi32, #tpu.memory_space<vmem>>, %arg8: memref<125x32xf32, #tpu.memory_space<vmem>>, %arg9: memref<125x32xf32, #tpu.memory_space<vmem>>, %arg10: memref<624x32xf32, #tpu.memory_space<vmem>>, %arg11: memref<10000x32xf32, #tpu.memory_space<vmem_shared>>, %arg12: memref<10000x32xf32, #tpu.memory_space<vmem_shared>>, %arg13: memref<!tpu.dma_semaphore, #tpu.memory_space<semaphore_mem>>, %arg14: memref<!tpu.dma_semaphore, #tpu.memory_space<semaphore_mem>>) attributes {dimension_semantics = [#tpu.dimension_semantics<core_parallel>, #tpu.dimension_semantics<subcore_parallel>], iteration_bounds = array<i64: 2, 16>, scalar_prefetch = 0 : i64, scratch_operands = 9 : i64, tpu.core_type = #tpu.core_type<sc_vector_subcore>, window_params = [{transform_indices = #map}, {transform_indices = #map}, {transform_indices = #map}, {transform_indices = #map1}]} {
    %mul3A = arith.constant 2 : i32
    %mul3A_0 = arith.muli %arg1, %mul3A : i32
    %add3A = arith.addi %mul3A_0, %arg0 : i32
    %mul3A_1 = arith.constant 624 : i32
    %mul3A_2 = arith.muli %arg1, %mul3A_1 : i32
    %mul3A_3 = arith.constant 80 : i32
    %mul3A_4 = arith.muli %add3A, %mul3A_3 : i32
    "tpu.region"() ({
      %run_scoped3A_60 = tpu.sem_alloc : memref<!tpu.dma_semaphore, #tpu.memory_space<semaphore_mem>>
      %dma_start3A_61 = arith.constant 0 : i32
      %dma_start3A_62 = tpu.memref_slice %arg3[%mul3A_4, %dma_start3A_61] : memref<2560x125xi32, #tpu.memory_space<hbm>> -> memref<80x125xi32, #tpu.memory_space<hbm>>
      %dma_start3A_63 = arith.constant 0 : i32
      %dma_start3A_64 = tpu.memref_slice %arg3[%mul3A_4, %dma_start3A_63] : memref<2560x125xi32, #tpu.memory_space<hbm>> -> memref<80x125xi32, #tpu.memory_space<hbm>>
      tpu.enqueue_dma source(%dma_start3A_64 : memref<80x125xi32, #tpu.memory_space<hbm>>) target(%arg6 : memref<80x125xi32, #tpu.memory_space<vmem>>) target_semaphore(%run_scoped3A_60 : memref<!tpu.dma_semaphore, #tpu.memory_space<semaphore_mem>>)
      %dma_wait3A_65 = arith.constant 0 : i32
      %dma_wait3A_66 = tpu.memref_slice %arg3[%mul3A_4, %dma_wait3A_65] : memref<2560x125xi32, #tpu.memory_space<hbm>> -> memref<80x125xi32, #tpu.memory_space<hbm>>
      %dma_wait3A_67 = arith.constant 0 : i32
      %dma_wait3A_68 = tpu.memref_slice %arg3[%mul3A_4, %dma_wait3A_67] : memref<2560x125xi32, #tpu.memory_space<hbm>> -> memref<80x125xi32, #tpu.memory_space<hbm>>
      tpu.wait_dma2 semaphore(%run_scoped3A_60 : memref<!tpu.dma_semaphore, #tpu.memory_space<semaphore_mem>>) src(%dma_wait3A_68 : memref<80x125xi32, #tpu.memory_space<hbm>>) dst(%arg6 : memref<80x125xi32, #tpu.memory_space<vmem>>)
      tpu.yield
    }) : () -> ()
    %mul3A_5 = arith.constant 80 : i32
    %mul3A_6 = arith.muli %add3A, %mul3A_5 : i32
    "tpu.region"() ({
      %run_scoped3A_60 = tpu.sem_alloc : memref<!tpu.dma_semaphore, #tpu.memory_space<semaphore_mem>>
      %dma_start3A_61 = arith.constant 0 : i32
      %dma_start3A_62 = tpu.memref_slice %arg4[%mul3A_6, %dma_start3A_61] : memref<2560x125xi32, #tpu.memory_space<hbm>> -> memref<80x125xi32, #tpu.memory_space<hbm>>
      %dma_start3A_63 = arith.constant 0 : i32
      %dma_start3A_64 = tpu.memref_slice %arg4[%mul3A_6, %dma_start3A_63] : memref<2560x125xi32, #tpu.memory_space<hbm>> -> memref<80x125xi32, #tpu.memory_space<hbm>>
      tpu.enqueue_dma source(%dma_start3A_64 : memref<80x125xi32, #tpu.memory_space<hbm>>) target(%arg7 : memref<80x125xi32, #tpu.memory_space<vmem>>) target_semaphore(%run_scoped3A_60 : memref<!tpu.dma_semaphore, #tpu.memory_space<semaphore_mem>>)
      %dma_wait3A_65 = arith.constant 0 : i32
      %dma_wait3A_66 = tpu.memref_slice %arg4[%mul3A_6, %dma_wait3A_65] : memref<2560x125xi32, #tpu.memory_space<hbm>> -> memref<80x125xi32, #tpu.memory_space<hbm>>
      %dma_wait3A_67 = arith.constant 0 : i32
      %dma_wait3A_68 = tpu.memref_slice %arg4[%mul3A_6, %dma_wait3A_67] : memref<2560x125xi32, #tpu.memory_space<hbm>> -> memref<80x125xi32, #tpu.memory_space<hbm>>
      tpu.wait_dma2 semaphore(%run_scoped3A_60 : memref<!tpu.dma_semaphore, #tpu.memory_space<semaphore_mem>>) src(%dma_wait3A_68 : memref<80x125xi32, #tpu.memory_space<hbm>>) dst(%arg7 : memref<80x125xi32, #tpu.memory_space<vmem>>)
      tpu.yield
    }) : () -> ()
    "tpu.region"() ({
      %run_scoped3A_60 = tpu.sem_alloc : memref<!tpu.dma_semaphore, #tpu.memory_space<semaphore_mem>>
      %dma_start3A_61 = arith.constant 0 : i32
      %dma_start3A_62 = tpu.memref_slice %arg12[%mul3A_2, %dma_start3A_61] : memref<10000x32xf32, #tpu.memory_space<vmem_shared>> -> memref<624x32xf32, #tpu.memory_space<vmem_shared>>
      %dma_start3A_63 = arith.constant 0 : i32
      %dma_start3A_64 = tpu.memref_slice %arg2[%mul3A_2, %dma_start3A_63] : memref<10000x32xf32, #tpu.memory_space<hbm>> -> memref<624x32xf32, #tpu.memory_space<hbm>>
      tpu.enqueue_dma source(%dma_start3A_64 : memref<624x32xf32, #tpu.memory_space<hbm>>) target(%dma_start3A_62 : memref<624x32xf32, #tpu.memory_space<vmem_shared>>) target_semaphore(%run_scoped3A_60 : memref<!tpu.dma_semaphore, #tpu.memory_space<semaphore_mem>>)
      %dma_wait3A_65 = arith.constant 0 : i32
      %dma_wait3A_66 = tpu.memref_slice %arg12[%mul3A_2, %dma_wait3A_65] : memref<10000x32xf32, #tpu.memory_space<vmem_shared>> -> memref<624x32xf32, #tpu.memory_space<vmem_shared>>
      %dma_wait3A_67 = arith.constant 0 : i32
      %dma_wait3A_68 = tpu.memref_slice %arg2[%mul3A_2, %dma_wait3A_67] : memref<10000x32xf32, #tpu.memory_space<hbm>> -> memref<624x32xf32, #tpu.memory_space<hbm>>
      tpu.wait_dma2 semaphore(%run_scoped3A_60 : memref<!tpu.dma_semaphore, #tpu.memory_space<semaphore_mem>>) src(%dma_wait3A_68 : memref<624x32xf32, #tpu.memory_space<hbm>>) dst(%dma_wait3A_66 : memref<624x32xf32, #tpu.memory_space<vmem_shared>>)
      tpu.yield
    }) : () -> ()
    %eq3A = arith.constant 15 : i32
    %eq3A_7 = arith.cmpi eq, %arg1, %eq3A : i32
    %convert_element_type3A = arith.extui %eq3A_7 : i1 to i32
    %cond3A = arith.constant 0 : i32
    %cond3A_8 = arith.cmpi ne, %convert_element_type3A, %cond3A : i32
    scf.if %cond3A_8 {
      "tpu.region"() ({
        %run_scoped3A_60 = tpu.sem_alloc : memref<!tpu.dma_semaphore, #tpu.memory_space<semaphore_mem>>
        %dma_start3A_61 = arith.constant 9984 : i32
        %dma_start3A_62 = arith.constant 0 : i32
        %dma_start3A_63 = tpu.memref_slice %arg12[%dma_start3A_61, %dma_start3A_62] : memref<10000x32xf32, #tpu.memory_space<vmem_shared>> -> memref<16x32xf32, #tpu.memory_space<vmem_shared>>
        %dma_start3A_64 = arith.constant 9984 : i32
        %dma_start3A_65 = arith.constant 0 : i32
        %dma_start3A_66 = tpu.memref_slice %arg2[%dma_start3A_64, %dma_start3A_65] : memref<10000x32xf32, #tpu.memory_space<hbm>> -> memref<16x32xf32, #tpu.memory_space<hbm>>
        tpu.enqueue_dma source(%dma_start3A_66 : memref<16x32xf32, #tpu.memory_space<hbm>>) target(%dma_start3A_63 : memref<16x32xf32, #tpu.memory_space<vmem_shared>>) target_semaphore(%run_scoped3A_60 : memref<!tpu.dma_semaphore, #tpu.memory_space<semaphore_mem>>)
        %dma_wait3A_67 = arith.constant 9984 : i32
        %dma_wait3A_68 = arith.constant 0 : i32
        %dma_wait3A_69 = tpu.memref_slice %arg12[%dma_wait3A_67, %dma_wait3A_68] : memref<10000x32xf32, #tpu.memory_space<vmem_shared>> -> memref<16x32xf32, #tpu.memory_space<vmem_shared>>
        %dma_wait3A_70 = arith.constant 9984 : i32
        %dma_wait3A_71 = arith.constant 0 : i32
        %dma_wait3A_72 = tpu.memref_slice %arg2[%dma_wait3A_70, %dma_wait3A_71] : memref<10000x32xf32, #tpu.memory_space<hbm>> -> memref<16x32xf32, #tpu.memory_space<hbm>>
        tpu.wait_dma2 semaphore(%run_scoped3A_60 : memref<!tpu.dma_semaphore, #tpu.memory_space<semaphore_mem>>) src(%dma_wait3A_72 : memref<16x32xf32, #tpu.memory_space<hbm>>) dst(%dma_wait3A_69 : memref<16x32xf32, #tpu.memory_space<vmem_shared>>)
        tpu.yield
      }) : () -> ()
    } else {
    }
    %scan3A = arith.constant 0 : i32
    %scan3A_9 = arith.constant 0 : i32
    %scan3A_10 = arith.constant 624 : i32
    %scan3A_11 = arith.addi %scan3A_9, %scan3A_10 : i32
    %scan3A_12 = arith.constant 1 : i32
    %scan3A_13 = scf.for %scan3A_60 = %scan3A_9 to %scan3A_11 step %scan3A_12 iter_args(%scan3A_61 = %scan3A) -> (i32)  : i32 {
      %broadcast_in_dim3A = arith.constant 0.000000e+00 : f32
      %broadcast_in_dim3A_62 = vector.broadcast %broadcast_in_dim3A : f32 to vector<16xf32>
      %swap3A = arith.index_cast %scan3A_60 : i32 to index
      %swap3A_63 = arith.constant 0 : index
      %swap3A_64 = tpu.vector_load %arg10[%swap3A, %swap3A_63] {strides = array<i32>} : memref<624x32xf32, #tpu.memory_space<vmem>>, vector<16xf32>,
      tpu.vector_store %arg10[%swap3A, %swap3A_63], %broadcast_in_dim3A_62 {strides = array<i32>} : memref<624x32xf32, #tpu.memory_space<vmem>>, vector<16xf32>,
      %broadcast_in_dim3A_65 = arith.constant 0.000000e+00 : f32
      %broadcast_in_dim3A_66 = vector.broadcast %broadcast_in_dim3A_65 : f32 to vector<16xf32>
      %swap3A_67 = arith.index_cast %scan3A_60 : i32 to index
      %swap3A_68 = arith.constant 16 : index
      %swap3A_69 = tpu.vector_load %arg10[%swap3A_67, %swap3A_68] {strides = array<i32>} : memref<624x32xf32, #tpu.memory_space<vmem>>, vector<16xf32>,
      tpu.vector_store %arg10[%swap3A_67, %swap3A_68], %broadcast_in_dim3A_66 {strides = array<i32>} : memref<624x32xf32, #tpu.memory_space<vmem>>, vector<16xf32>,
      %scan3A_70 = arith.constant 0 : i32
      scf.yield %scan3A_70 : i32
    }
    %scan3A_14 = arith.constant 624 : i32
    "tpu.region"() ({
      %run_scoped3A_60 = tpu.sem_alloc : memref<!tpu.dma_semaphore, #tpu.memory_space<semaphore_mem>>
      %dma_start3A_61 = arith.constant 0 : i32
      %dma_start3A_62 = tpu.memref_slice %arg11[%mul3A_2, %dma_start3A_61] : memref<10000x32xf32, #tpu.memory_space<vmem_shared>> -> memref<624x32xf32, #tpu.memory_space<vmem_shared>>
      %dma_start3A_63 = arith.constant 0 : i32
      %dma_start3A_64 = tpu.memref_slice %arg11[%mul3A_2, %dma_start3A_63] : memref<10000x32xf32, #tpu.memory_space<vmem_shared>> -> memref<624x32xf32, #tpu.memory_space<vmem_shared>>
      tpu.enqueue_dma source(%arg10 : memref<624x32xf32, #tpu.memory_space<vmem>>) target(%dma_start3A_64 : memref<624x32xf32, #tpu.memory_space<vmem_shared>>) target_semaphore(%run_scoped3A_60 : memref<!tpu.dma_semaphore, #tpu.memory_space<semaphore_mem>>)
      %dma_wait3A_65 = arith.constant 0 : i32
      %dma_wait3A_66 = tpu.memref_slice %arg11[%mul3A_2, %dma_wait3A_65] : memref<10000x32xf32, #tpu.memory_space<vmem_shared>> -> memref<624x32xf32, #tpu.memory_space<vmem_shared>>
      %dma_wait3A_67 = arith.constant 0 : i32
      %dma_wait3A_68 = tpu.memref_slice %arg11[%mul3A_2, %dma_wait3A_67] : memref<10000x32xf32, #tpu.memory_space<vmem_shared>> -> memref<624x32xf32, #tpu.memory_space<vmem_shared>>
      tpu.wait_dma2 semaphore(%run_scoped3A_60 : memref<!tpu.dma_semaphore, #tpu.memory_space<semaphore_mem>>) src(%arg10 : memref<624x32xf32, #tpu.memory_space<vmem>>) dst(%dma_wait3A_68 : memref<624x32xf32, #tpu.memory_space<vmem_shared>>)
      tpu.yield
    }) : () -> ()
    %eq3A_15 = arith.constant 15 : i32
    %eq3A_16 = arith.cmpi eq, %arg1, %eq3A_15 : i32
    %convert_element_type3A_17 = arith.extui %eq3A_16 : i1 to i32
    %cond3A_18 = arith.constant 0 : i32
    %cond3A_19 = arith.cmpi ne, %convert_element_type3A_17, %cond3A_18 : i32
    scf.if %cond3A_19 {
      "tpu.region"() ({
        %run_scoped3A_60 = tpu.sem_alloc : memref<!tpu.dma_semaphore, #tpu.memory_space<semaphore_mem>>
        %dma_start3A_61 = arith.constant 0 : i32
        %dma_start3A_62 = arith.constant 0 : i32
        %dma_start3A_63 = tpu.memref_slice %arg10[%dma_start3A_61, %dma_start3A_62] : memref<624x32xf32, #tpu.memory_space<vmem>> -> memref<16x32xf32, #tpu.memory_space<vmem>>
        %dma_start3A_64 = arith.constant 9984 : i32
        %dma_start3A_65 = arith.constant 0 : i32
        %dma_start3A_66 = tpu.memref_slice %arg11[%dma_start3A_64, %dma_start3A_65] : memref<10000x32xf32, #tpu.memory_space<vmem_shared>> -> memref<16x32xf32, #tpu.memory_space<vmem_shared>>
        %dma_start3A_67 = arith.constant 9984 : i32
        %dma_start3A_68 = arith.constant 0 : i32
        %dma_start3A_69 = tpu.memref_slice %arg11[%dma_start3A_67, %dma_start3A_68] : memref<10000x32xf32, #tpu.memory_space<vmem_shared>> -> memref<16x32xf32, #tpu.memory_space<vmem_shared>>
        %dma_start3A_70 = arith.constant 0 : i32
        %dma_start3A_71 = arith.constant 0 : i32
        %dma_start3A_72 = tpu.memref_slice %arg10[%dma_start3A_70, %dma_start3A_71] : memref<624x32xf32, #tpu.memory_space<vmem>> -> memref<16x32xf32, #tpu.memory_space<vmem>>
        tpu.enqueue_dma source(%dma_start3A_72 : memref<16x32xf32, #tpu.memory_space<vmem>>) target(%dma_start3A_69 : memref<16x32xf32, #tpu.memory_space<vmem_shared>>) target_semaphore(%run_scoped3A_60 : memref<!tpu.dma_semaphore, #tpu.memory_space<semaphore_mem>>)
        %dma_wait3A_73 = arith.constant 0 : i32
        %dma_wait3A_74 = arith.constant 0 : i32
        %dma_wait3A_75 = tpu.memref_slice %arg10[%dma_wait3A_73, %dma_wait3A_74] : memref<624x32xf32, #tpu.memory_space<vmem>> -> memref<16x32xf32, #tpu.memory_space<vmem>>
        %dma_wait3A_76 = arith.constant 9984 : i32
        %dma_wait3A_77 = arith.constant 0 : i32
        %dma_wait3A_78 = tpu.memref_slice %arg11[%dma_wait3A_76, %dma_wait3A_77] : memref<10000x32xf32, #tpu.memory_space<vmem_shared>> -> memref<16x32xf32, #tpu.memory_space<vmem_shared>>
        %dma_wait3A_79 = arith.constant 9984 : i32
        %dma_wait3A_80 = arith.constant 0 : i32
        %dma_wait3A_81 = tpu.memref_slice %arg11[%dma_wait3A_79, %dma_wait3A_80] : memref<10000x32xf32, #tpu.memory_space<vmem_shared>> -> memref<16x32xf32, #tpu.memory_space<vmem_shared>>
        %dma_wait3A_82 = arith.constant 0 : i32
        %dma_wait3A_83 = arith.constant 0 : i32
        %dma_wait3A_84 = tpu.memref_slice %arg10[%dma_wait3A_82, %dma_wait3A_83] : memref<624x32xf32, #tpu.memory_space<vmem>> -> memref<16x32xf32, #tpu.memory_space<vmem>>
        tpu.wait_dma2 semaphore(%run_scoped3A_60 : memref<!tpu.dma_semaphore, #tpu.memory_space<semaphore_mem>>) src(%dma_wait3A_84 : memref<16x32xf32, #tpu.memory_space<vmem>>) dst(%dma_wait3A_81 : memref<16x32xf32, #tpu.memory_space<vmem_shared>>)
        tpu.yield
      }) : () -> ()
    } else {
    }
    %barrier3A = arith.constant 0 : index
    tpu.barrier barrier_id(%barrier3A)
    %dma_start3A = arith.constant 0 : i32
    %dma_start3A_20 = arith.constant 0 : i32
    %dma_start3A_21 = tpu.memref_slice %arg6[%dma_start3A, %dma_start3A_20] : memref<80x125xi32, #tpu.memory_space<vmem>> -> memref<1x125xi32, #tpu.memory_space<vmem>>
    %dma_start3A_22 = tpu.memref_squeeze %dma_start3A_21 : memref<1x125xi32, #tpu.memory_space<vmem>> -> memref<125xi32, #tpu.memory_space<vmem>>
    %dma_start3A_23 = arith.constant 0 : i32
    %dma_start3A_24 = arith.constant 0 : i32
    %dma_start3A_25 = tpu.memref_slice %arg12[%dma_start3A_23, %dma_start3A_24] : memref<10000x32xf32, #tpu.memory_space<vmem_shared>> -> memref<10000x32xf32, #tpu.memory_space<vmem_shared>>
    tpu.enqueue_indirect_dma source(%dma_start3A_25 : memref<10000x32xf32, #tpu.memory_space<vmem_shared>>) target(%arg8 : memref<125x32xf32, #tpu.memory_space<vmem>>) offsets(%dma_start3A_22 : memref<125xi32, #tpu.memory_space<vmem>>) semaphore(%arg13 : memref<!tpu.dma_semaphore, #tpu.memory_space<semaphore_mem>>)
    %scan3A_26 = arith.constant 0 : i32
    %scan3A_27 = arith.constant 0 : i32
    %scan3A_28 = arith.constant 39 : i32
    %scan3A_29 = arith.addi %scan3A_27, %scan3A_28 : i32
    %scan3A_30 = arith.constant 1 : i32
    %scan3A_31 = scf.for %scan3A_60 = %scan3A_27 to %scan3A_29 step %scan3A_30 iter_args(%scan3A_61 = %scan3A_26) -> (i32)  : i32 {
      %mul3A_62 = arith.constant 2 : i32
      %mul3A_63 = arith.muli %mul3A_62, %scan3A_60 : i32
      %add3A_64 = arith.constant 1 : i32
      %add3A_65 = arith.addi %mul3A_63, %add3A_64 : i32
      %dma_wait3A_66 = arith.constant 0 : i32
      %dma_wait3A_67 = tpu.memref_slice %arg6[%mul3A_63, %dma_wait3A_66] : memref<80x125xi32, #tpu.memory_space<vmem>> -> memref<1x125xi32, #tpu.memory_space<vmem>>
      %dma_wait3A_68 = tpu.memref_squeeze %dma_wait3A_67 : memref<1x125xi32, #tpu.memory_space<vmem>> -> memref<125xi32, #tpu.memory_space<vmem>>
      %dma_wait3A_69 = arith.constant 0 : i32
      %dma_wait3A_70 = arith.constant 0 : i32
      %dma_wait3A_71 = tpu.memref_slice %arg12[%dma_wait3A_69, %dma_wait3A_70] : memref<10000x32xf32, #tpu.memory_space<vmem_shared>> -> memref<10000x32xf32, #tpu.memory_space<vmem_shared>>
      tpu.wait_indirect_dma semaphore(%arg13 : memref<!tpu.dma_semaphore, #tpu.memory_space<semaphore_mem>>) src(%dma_wait3A_71 : memref<10000x32xf32, #tpu.memory_space<vmem_shared>>) dst(%arg8 : memref<125x32xf32, #tpu.memory_space<vmem>>)
      %dma_start3A_72 = arith.constant 0 : i32
      %dma_start3A_73 = tpu.memref_slice %arg6[%add3A_65, %dma_start3A_72] : memref<80x125xi32, #tpu.memory_space<vmem>> -> memref<1x125xi32, #tpu.memory_space<vmem>>
      %dma_start3A_74 = tpu.memref_squeeze %dma_start3A_73 : memref<1x125xi32, #tpu.memory_space<vmem>> -> memref<125xi32, #tpu.memory_space<vmem>>
      %dma_start3A_75 = arith.constant 0 : i32
      %dma_start3A_76 = arith.constant 0 : i32
      %dma_start3A_77 = tpu.memref_slice %arg12[%dma_start3A_75, %dma_start3A_76] : memref<10000x32xf32, #tpu.memory_space<vmem_shared>> -> memref<10000x32xf32, #tpu.memory_space<vmem_shared>>
      tpu.enqueue_indirect_dma source(%dma_start3A_77 : memref<10000x32xf32, #tpu.memory_space<vmem_shared>>) target(%arg9 : memref<125x32xf32, #tpu.memory_space<vmem>>) offsets(%dma_start3A_74 : memref<125xi32, #tpu.memory_space<vmem>>) semaphore(%arg14 : memref<!tpu.dma_semaphore, #tpu.memory_space<semaphore_mem>>)
      "tpu.region"() ({
        %run_scoped3A_93 = tpu.sem_alloc : memref<!tpu.dma_semaphore, #tpu.memory_space<semaphore_mem>>
        %dma_start3A_94 = arith.constant 0 : i32
        %dma_start3A_95 = tpu.memref_slice %arg7[%mul3A_63, %dma_start3A_94] : memref<80x125xi32, #tpu.memory_space<vmem>> -> memref<1x125xi32, #tpu.memory_space<vmem>>
        %dma_start3A_96 = tpu.memref_squeeze %dma_start3A_95 : memref<1x125xi32, #tpu.memory_space<vmem>> -> memref<125xi32, #tpu.memory_space<vmem>>
        %dma_start3A_97 = arith.constant 0 : i32
        %dma_start3A_98 = arith.constant 0 : i32
        %dma_start3A_99 = tpu.memref_slice %arg11[%dma_start3A_97, %dma_start3A_98] : memref<10000x32xf32, #tpu.memory_space<vmem_shared>> -> memref<10000x32xf32, #tpu.memory_space<vmem_shared>>
        tpu.enqueue_indirect_dma source(%arg8 : memref<125x32xf32, #tpu.memory_space<vmem>>) target(%dma_start3A_99 : memref<10000x32xf32, #tpu.memory_space<vmem_shared>>) offsets(%dma_start3A_96 : memref<125xi32, #tpu.memory_space<vmem>>) semaphore(%run_scoped3A_93 : memref<!tpu.dma_semaphore, #tpu.memory_space<semaphore_mem>>) {add = true}
        %dma_wait3A_100 = arith.constant 0 : i32
        %dma_wait3A_101 = tpu.memref_slice %arg7[%mul3A_63, %dma_wait3A_100] : memref<80x125xi32, #tpu.memory_space<vmem>> -> memref<1x125xi32, #tpu.memory_space<vmem>>
        %dma_wait3A_102 = tpu.memref_squeeze %dma_wait3A_101 : memref<1x125xi32, #tpu.memory_space<vmem>> -> memref<125xi32, #tpu.memory_space<vmem>>
        %dma_wait3A_103 = arith.constant 0 : i32
        %dma_wait3A_104 = arith.constant 0 : i32
        %dma_wait3A_105 = tpu.memref_slice %arg11[%dma_wait3A_103, %dma_wait3A_104] : memref<10000x32xf32, #tpu.memory_space<vmem_shared>> -> memref<10000x32xf32, #tpu.memory_space<vmem_shared>>
        tpu.wait_indirect_dma semaphore(%run_scoped3A_93 : memref<!tpu.dma_semaphore, #tpu.memory_space<semaphore_mem>>) src(%arg8 : memref<125x32xf32, #tpu.memory_space<vmem>>) dst(%dma_wait3A_105 : memref<10000x32xf32, #tpu.memory_space<vmem_shared>>)
        tpu.yield
      }) : () -> ()
      %dma_wait3A_78 = arith.constant 0 : i32
      %dma_wait3A_79 = tpu.memref_slice %arg6[%add3A_65, %dma_wait3A_78] : memref<80x125xi32, #tpu.memory_space<vmem>> -> memref<1x125xi32, #tpu.memory_space<vmem>>
      %dma_wait3A_80 = tpu.memref_squeeze %dma_wait3A_79 : memref<1x125xi32, #tpu.memory_space<vmem>> -> memref<125xi32, #tpu.memory_space<vmem>>
      %dma_wait3A_81 = arith.constant 0 : i32
      %dma_wait3A_82 = arith.constant 0 : i32
      %dma_wait3A_83 = tpu.memref_slice %arg12[%dma_wait3A_81, %dma_wait3A_82] : memref<10000x32xf32, #tpu.memory_space<vmem_shared>> -> memref<10000x32xf32, #tpu.memory_space<vmem_shared>>
      tpu.wait_indirect_dma semaphore(%arg14 : memref<!tpu.dma_semaphore, #tpu.memory_space<semaphore_mem>>) src(%dma_wait3A_83 : memref<10000x32xf32, #tpu.memory_space<vmem_shared>>) dst(%arg9 : memref<125x32xf32, #tpu.memory_space<vmem>>)
      %add3A_84 = arith.constant 2 : i32
      %add3A_85 = arith.addi %mul3A_63, %add3A_84 : i32
      %dma_start3A_86 = arith.constant 0 : i32
      %dma_start3A_87 = tpu.memref_slice %arg6[%add3A_85, %dma_start3A_86] : memref<80x125xi32, #tpu.memory_space<vmem>> -> memref<1x125xi32, #tpu.memory_space<vmem>>
      %dma_start3A_88 = tpu.memref_squeeze %dma_start3A_87 : memref<1x125xi32, #tpu.memory_space<vmem>> -> memref<125xi32, #tpu.memory_space<vmem>>
      %dma_start3A_89 = arith.constant 0 : i32
      %dma_start3A_90 = arith.constant 0 : i32
      %dma_start3A_91 = tpu.memref_slice %arg12[%dma_start3A_89, %dma_start3A_90] : memref<10000x32xf32, #tpu.memory_space<vmem_shared>> -> memref<10000x32xf32, #tpu.memory_space<vmem_shared>>
      tpu.enqueue_indirect_dma source(%dma_start3A_91 : memref<10000x32xf32, #tpu.memory_space<vmem_shared>>) target(%arg8 : memref<125x32xf32, #tpu.memory_space<vmem>>) offsets(%dma_start3A_88 : memref<125xi32, #tpu.memory_space<vmem>>) semaphore(%arg13 : memref<!tpu.dma_semaphore, #tpu.memory_space<semaphore_mem>>)
      "tpu.region"() ({
        %run_scoped3A_93 = tpu.sem_alloc : memref<!tpu.dma_semaphore, #tpu.memory_space<semaphore_mem>>
        %dma_start3A_94 = arith.constant 0 : i32
        %dma_start3A_95 = tpu.memref_slice %arg7[%add3A_65, %dma_start3A_94] : memref<80x125xi32, #tpu.memory_space<vmem>> -> memref<1x125xi32, #tpu.memory_space<vmem>>
        %dma_start3A_96 = tpu.memref_squeeze %dma_start3A_95 : memref<1x125xi32, #tpu.memory_space<vmem>> -> memref<125xi32, #tpu.memory_space<vmem>>
        %dma_start3A_97 = arith.constant 0 : i32
        %dma_start3A_98 = arith.constant 0 : i32
        %dma_start3A_99 = tpu.memref_slice %arg11[%dma_start3A_97, %dma_start3A_98] : memref<10000x32xf32, #tpu.memory_space<vmem_shared>> -> memref<10000x32xf32, #tpu.memory_space<vmem_shared>>
        tpu.enqueue_indirect_dma source(%arg9 : memref<125x32xf32, #tpu.memory_space<vmem>>) target(%dma_start3A_99 : memref<10000x32xf32, #tpu.memory_space<vmem_shared>>) offsets(%dma_start3A_96 : memref<125xi32, #tpu.memory_space<vmem>>) semaphore(%run_scoped3A_93 : memref<!tpu.dma_semaphore, #tpu.memory_space<semaphore_mem>>) {add = true}
        %dma_wait3A_100 = arith.constant 0 : i32
        %dma_wait3A_101 = tpu.memref_slice %arg7[%add3A_65, %dma_wait3A_100] : memref<80x125xi32, #tpu.memory_space<vmem>> -> memref<1x125xi32, #tpu.memory_space<vmem>>
        %dma_wait3A_102 = tpu.memref_squeeze %dma_wait3A_101 : memref<1x125xi32, #tpu.memory_space<vmem>> -> memref<125xi32, #tpu.memory_space<vmem>>
        %dma_wait3A_103 = arith.constant 0 : i32
        %dma_wait3A_104 = arith.constant 0 : i32
        %dma_wait3A_105 = tpu.memref_slice %arg11[%dma_wait3A_103, %dma_wait3A_104] : memref<10000x32xf32, #tpu.memory_space<vmem_shared>> -> memref<10000x32xf32, #tpu.memory_space<vmem_shared>>
        tpu.wait_indirect_dma semaphore(%run_scoped3A_93 : memref<!tpu.dma_semaphore, #tpu.memory_space<semaphore_mem>>) src(%arg9 : memref<125x32xf32, #tpu.memory_space<vmem>>) dst(%dma_wait3A_105 : memref<10000x32xf32, #tpu.memory_space<vmem_shared>>)
        tpu.yield
      }) : () -> ()
      %scan3A_92 = arith.constant 0 : i32
      scf.yield %scan3A_92 : i32
    }
    %scan3A_32 = arith.constant 39 : i32
    %dma_wait3A = arith.constant 78 : i32
    %dma_wait3A_33 = arith.constant 0 : i32
    %dma_wait3A_34 = tpu.memref_slice %arg6[%dma_wait3A, %dma_wait3A_33] : memref<80x125xi32, #tpu.memory_space<vmem>> -> memref<1x125xi32, #tpu.memory_space<vmem>>
    %dma_wait3A_35 = tpu.memref_squeeze %dma_wait3A_34 : memref<1x125xi32, #tpu.memory_space<vmem>> -> memref<125xi32, #tpu.memory_space<vmem>>
    %dma_wait3A_36 = arith.constant 0 : i32
    %dma_wait3A_37 = arith.constant 0 : i32
    %dma_wait3A_38 = tpu.memref_slice %arg12[%dma_wait3A_36, %dma_wait3A_37] : memref<10000x32xf32, #tpu.memory_space<vmem_shared>> -> memref<10000x32xf32, #tpu.memory_space<vmem_shared>>
    tpu.wait_indirect_dma semaphore(%arg13 : memref<!tpu.dma_semaphore, #tpu.memory_space<semaphore_mem>>) src(%dma_wait3A_38 : memref<10000x32xf32, #tpu.memory_space<vmem_shared>>) dst(%arg8 : memref<125x32xf32, #tpu.memory_space<vmem>>)
    %dma_start3A_39 = arith.constant 79 : i32
    %dma_start3A_40 = arith.constant 0 : i32
    %dma_start3A_41 = tpu.memref_slice %arg6[%dma_start3A_39, %dma_start3A_40] : memref<80x125xi32, #tpu.memory_space<vmem>> -> memref<1x125xi32, #tpu.memory_space<vmem>>
    %dma_start3A_42 = tpu.memref_squeeze %dma_start3A_41 : memref<1x125xi32, #tpu.memory_space<vmem>> -> memref<125xi32, #tpu.memory_space<vmem>>
    %dma_start3A_43 = arith.constant 0 : i32
    %dma_start3A_44 = arith.constant 0 : i32
    %dma_start3A_45 = tpu.memref_slice %arg12[%dma_start3A_43, %dma_start3A_44] : memref<10000x32xf32, #tpu.memory_space<vmem_shared>> -> memref<10000x32xf32, #tpu.memory_space<vmem_shared>>
    tpu.enqueue_indirect_dma source(%dma_start3A_45 : memref<10000x32xf32, #tpu.memory_space<vmem_shared>>) target(%arg9 : memref<125x32xf32, #tpu.memory_space<vmem>>) offsets(%dma_start3A_42 : memref<125xi32, #tpu.memory_space<vmem>>) semaphore(%arg14 : memref<!tpu.dma_semaphore, #tpu.memory_space<semaphore_mem>>)
    %run_scoped3A = arith.constant 78 : i32
    "tpu.region"() ({
      %run_scoped3A_60 = tpu.sem_alloc : memref<!tpu.dma_semaphore, #tpu.memory_space<semaphore_mem>>
      %dma_start3A_61 = arith.constant 0 : i32
      %dma_start3A_62 = tpu.memref_slice %arg7[%run_scoped3A, %dma_start3A_61] : memref<80x125xi32, #tpu.memory_space<vmem>> -> memref<1x125xi32, #tpu.memory_space<vmem>>
      %dma_start3A_63 = tpu.memref_squeeze %dma_start3A_62 : memref<1x125xi32, #tpu.memory_space<vmem>> -> memref<125xi32, #tpu.memory_space<vmem>>
      %dma_start3A_64 = arith.constant 0 : i32
      %dma_start3A_65 = arith.constant 0 : i32
      %dma_start3A_66 = tpu.memref_slice %arg11[%dma_start3A_64, %dma_start3A_65] : memref<10000x32xf32, #tpu.memory_space<vmem_shared>> -> memref<10000x32xf32, #tpu.memory_space<vmem_shared>>
      tpu.enqueue_indirect_dma source(%arg8 : memref<125x32xf32, #tpu.memory_space<vmem>>) target(%dma_start3A_66 : memref<10000x32xf32, #tpu.memory_space<vmem_shared>>) offsets(%dma_start3A_63 : memref<125xi32, #tpu.memory_space<vmem>>) semaphore(%run_scoped3A_60 : memref<!tpu.dma_semaphore, #tpu.memory_space<semaphore_mem>>) {add = true}
      %dma_wait3A_67 = arith.constant 0 : i32
      %dma_wait3A_68 = tpu.memref_slice %arg7[%run_scoped3A, %dma_wait3A_67] : memref<80x125xi32, #tpu.memory_space<vmem>> -> memref<1x125xi32, #tpu.memory_space<vmem>>
      %dma_wait3A_69 = tpu.memref_squeeze %dma_wait3A_68 : memref<1x125xi32, #tpu.memory_space<vmem>> -> memref<125xi32, #tpu.memory_space<vmem>>
      %dma_wait3A_70 = arith.constant 0 : i32
      %dma_wait3A_71 = arith.constant 0 : i32
      %dma_wait3A_72 = tpu.memref_slice %arg11[%dma_wait3A_70, %dma_wait3A_71] : memref<10000x32xf32, #tpu.memory_space<vmem_shared>> -> memref<10000x32xf32, #tpu.memory_space<vmem_shared>>
      tpu.wait_indirect_dma semaphore(%run_scoped3A_60 : memref<!tpu.dma_semaphore, #tpu.memory_space<semaphore_mem>>) src(%arg8 : memref<125x32xf32, #tpu.memory_space<vmem>>) dst(%dma_wait3A_72 : memref<10000x32xf32, #tpu.memory_space<vmem_shared>>)
      tpu.yield
    }) : () -> ()
    %dma_wait3A_46 = arith.constant 79 : i32
    %dma_wait3A_47 = arith.constant 0 : i32
    %dma_wait3A_48 = tpu.memref_slice %arg6[%dma_wait3A_46, %dma_wait3A_47] : memref<80x125xi32, #tpu.memory_space<vmem>> -> memref<1x125xi32, #tpu.memory_space<vmem>>
    %dma_wait3A_49 = tpu.memref_squeeze %dma_wait3A_48 : memref<1x125xi32, #tpu.memory_space<vmem>> -> memref<125xi32, #tpu.memory_space<vmem>>
    %dma_wait3A_50 = arith.constant 0 : i32
    %dma_wait3A_51 = arith.constant 0 : i32
    %dma_wait3A_52 = tpu.memref_slice %arg12[%dma_wait3A_50, %dma_wait3A_51] : memref<10000x32xf32, #tpu.memory_space<vmem_shared>> -> memref<10000x32xf32, #tpu.memory_space<vmem_shared>>
    tpu.wait_indirect_dma semaphore(%arg14 : memref<!tpu.dma_semaphore, #tpu.memory_space<semaphore_mem>>) src(%dma_wait3A_52 : memref<10000x32xf32, #tpu.memory_space<vmem_shared>>) dst(%arg9 : memref<125x32xf32, #tpu.memory_space<vmem>>)
    %run_scoped3A_53 = arith.constant 79 : i32
    "tpu.region"() ({
      %run_scoped3A_60 = tpu.sem_alloc : memref<!tpu.dma_semaphore, #tpu.memory_space<semaphore_mem>>
      %dma_start3A_61 = arith.constant 0 : i32
      %dma_start3A_62 = tpu.memref_slice %arg7[%run_scoped3A_53, %dma_start3A_61] : memref<80x125xi32, #tpu.memory_space<vmem>> -> memref<1x125xi32, #tpu.memory_space<vmem>>
      %dma_start3A_63 = tpu.memref_squeeze %dma_start3A_62 : memref<1x125xi32, #tpu.memory_space<vmem>> -> memref<125xi32, #tpu.memory_space<vmem>>
      %dma_start3A_64 = arith.constant 0 : i32
      %dma_start3A_65 = arith.constant 0 : i32
      %dma_start3A_66 = tpu.memref_slice %arg11[%dma_start3A_64, %dma_start3A_65] : memref<10000x32xf32, #tpu.memory_space<vmem_shared>> -> memref<10000x32xf32, #tpu.memory_space<vmem_shared>>
      tpu.enqueue_indirect_dma source(%arg9 : memref<125x32xf32, #tpu.memory_space<vmem>>) target(%dma_start3A_66 : memref<10000x32xf32, #tpu.memory_space<vmem_shared>>) offsets(%dma_start3A_63 : memref<125xi32, #tpu.memory_space<vmem>>) semaphore(%run_scoped3A_60 : memref<!tpu.dma_semaphore, #tpu.memory_space<semaphore_mem>>) {add = true}
      %dma_wait3A_67 = arith.constant 0 : i32
      %dma_wait3A_68 = tpu.memref_slice %arg7[%run_scoped3A_53, %dma_wait3A_67] : memref<80x125xi32, #tpu.memory_space<vmem>> -> memref<1x125xi32, #tpu.memory_space<vmem>>
      %dma_wait3A_69 = tpu.memref_squeeze %dma_wait3A_68 : memref<1x125xi32, #tpu.memory_space<vmem>> -> memref<125xi32, #tpu.memory_space<vmem>>
      %dma_wait3A_70 = arith.constant 0 : i32
      %dma_wait3A_71 = arith.constant 0 : i32
      %dma_wait3A_72 = tpu.memref_slice %arg11[%dma_wait3A_70, %dma_wait3A_71] : memref<10000x32xf32, #tpu.memory_space<vmem_shared>> -> memref<10000x32xf32, #tpu.memory_space<vmem_shared>>
      tpu.wait_indirect_dma semaphore(%run_scoped3A_60 : memref<!tpu.dma_semaphore, #tpu.memory_space<semaphore_mem>>) src(%arg9 : memref<125x32xf32, #tpu.memory_space<vmem>>) dst(%dma_wait3A_72 : memref<10000x32xf32, #tpu.memory_space<vmem_shared>>)
      tpu.yield
    }) : () -> ()
    %barrier3A_54 = arith.constant 0 : index
    tpu.barrier barrier_id(%barrier3A_54)
    "tpu.region"() ({
      %run_scoped3A_60 = tpu.sem_alloc : memref<!tpu.dma_semaphore, #tpu.memory_space<semaphore_mem>>
      %dma_start3A_61 = arith.constant 0 : i32
      %dma_start3A_62 = tpu.memref_slice %arg5[%arg0, %mul3A_2, %dma_start3A_61] : memref<2x10000x32xf32, #tpu.memory_space<hbm>> -> memref<1x624x32xf32, #tpu.memory_space<hbm>>
      %dma_start3A_63 = tpu.memref_squeeze %dma_start3A_62 : memref<1x624x32xf32, #tpu.memory_space<hbm>> -> memref<624x32xf32, #tpu.memory_space<hbm>>
      %dma_start3A_64 = arith.constant 0 : i32
      %dma_start3A_65 = tpu.memref_slice %arg11[%mul3A_2, %dma_start3A_64] : memref<10000x32xf32, #tpu.memory_space<vmem_shared>> -> memref<624x32xf32, #tpu.memory_space<vmem_shared>>
      tpu.enqueue_dma source(%dma_start3A_65 : memref<624x32xf32, #tpu.memory_space<vmem_shared>>) target(%dma_start3A_63 : memref<624x32xf32, #tpu.memory_space<hbm>>) target_semaphore(%run_scoped3A_60 : memref<!tpu.dma_semaphore, #tpu.memory_space<semaphore_mem>>)
      %dma_wait3A_66 = arith.constant 0 : i32
      %dma_wait3A_67 = tpu.memref_slice %arg5[%arg0, %mul3A_2, %dma_wait3A_66] : memref<2x10000x32xf32, #tpu.memory_space<hbm>> -> memref<1x624x32xf32, #tpu.memory_space<hbm>>
      %dma_wait3A_68 = tpu.memref_squeeze %dma_wait3A_67 : memref<1x624x32xf32, #tpu.memory_space<hbm>> -> memref<624x32xf32, #tpu.memory_space<hbm>>
      %dma_wait3A_69 = arith.constant 0 : i32
      %dma_wait3A_70 = tpu.memref_slice %arg11[%mul3A_2, %dma_wait3A_69] : memref<10000x32xf32, #tpu.memory_space<vmem_shared>> -> memref<624x32xf32, #tpu.memory_space<vmem_shared>>
      tpu.wait_dma2 semaphore(%run_scoped3A_60 : memref<!tpu.dma_semaphore, #tpu.memory_space<semaphore_mem>>) src(%dma_wait3A_70 : memref<624x32xf32, #tpu.memory_space<vmem_shared>>) dst(%dma_wait3A_68 : memref<624x32xf32, #tpu.memory_space<hbm>>)
      tpu.yield
    }) : () -> ()
    %eq3A_55 = arith.constant 15 : i32
    %eq3A_56 = arith.cmpi eq, %arg1, %eq3A_55 : i32
    %convert_element_type3A_57 = arith.extui %eq3A_56 : i1 to i32
    %cond3A_58 = arith.constant 0 : i32
    %cond3A_59 = arith.cmpi ne, %convert_element_type3A_57, %cond3A_58 : i32
    scf.if %cond3A_59 {
      "tpu.region"() ({
        %run_scoped3A_60 = tpu.sem_alloc : memref<!tpu.dma_semaphore, #tpu.memory_space<semaphore_mem>>
        %dma_start3A_61 = arith.constant 9984 : i32
        %dma_start3A_62 = arith.constant 0 : i32
        %dma_start3A_63 = tpu.memref_slice %arg5[%arg0, %dma_start3A_61, %dma_start3A_62] : memref<2x10000x32xf32, #tpu.memory_space<hbm>> -> memref<1x16x32xf32, #tpu.memory_space<hbm>>
        %dma_start3A_64 = tpu.memref_squeeze %dma_start3A_63 : memref<1x16x32xf32, #tpu.memory_space<hbm>> -> memref<16x32xf32, #tpu.memory_space<hbm>>
        %dma_start3A_65 = arith.constant 9984 : i32
        %dma_start3A_66 = arith.constant 0 : i32
        %dma_start3A_67 = tpu.memref_slice %arg11[%dma_start3A_65, %dma_start3A_66] : memref<10000x32xf32, #tpu.memory_space<vmem_shared>> -> memref<16x32xf32, #tpu.memory_space<vmem_shared>>
        tpu.enqueue_dma source(%dma_start3A_67 : memref<16x32xf32, #tpu.memory_space<vmem_shared>>) target(%dma_start3A_64 : memref<16x32xf32, #tpu.memory_space<hbm>>) target_semaphore(%run_scoped3A_60 : memref<!tpu.dma_semaphore, #tpu.memory_space<semaphore_mem>>)
        %dma_wait3A_68 = arith.constant 9984 : i32
        %dma_wait3A_69 = arith.constant 0 : i32
        %dma_wait3A_70 = tpu.memref_slice %arg5[%arg0, %dma_wait3A_68, %dma_wait3A_69] : memref<2x10000x32xf32, #tpu.memory_space<hbm>> -> memref<1x16x32xf32, #tpu.memory_space<hbm>>
        %dma_wait3A_71 = tpu.memref_squeeze %dma_wait3A_70 : memref<1x16x32xf32, #tpu.memory_space<hbm>> -> memref<16x32xf32, #tpu.memory_space<hbm>>
        %dma_wait3A_72 = arith.constant 9984 : i32
        %dma_wait3A_73 = arith.constant 0 : i32
        %dma_wait3A_74 = tpu.memref_slice %arg11[%dma_wait3A_72, %dma_wait3A_73] : memref<10000x32xf32, #tpu.memory_space<vmem_shared>> -> memref<16x32xf32, #tpu.memory_space<vmem_shared>>
        tpu.wait_dma2 semaphore(%run_scoped3A_60 : memref<!tpu.dma_semaphore, #tpu.memory_space<semaphore_mem>>) src(%dma_wait3A_74 : memref<16x32xf32, #tpu.memory_space<vmem_shared>>) dst(%dma_wait3A_71 : memref<16x32xf32, #tpu.memory_space<hbm>>)
        tpu.yield
      }) : () -> ()
    } else {
    }
    return
  }
}

module attributes {stable_mosaic.version = 14 : i64} {
  func.func @_stage1_body(%arg0: i32, %arg1: memref<1000x128xf32, #tpu.memory_space<vmem>>, %arg2: memref<128x32xf32, #tpu.memory_space<vmem>>, %arg3: memref<1x32xf32, #tpu.memory_space<vmem>>, %arg4: memref<128x12xf32, #tpu.memory_space<vmem>>, %arg5: memref<1x12xf32, #tpu.memory_space<vmem>>, %arg6: memref<1000x32xf32, #tpu.memory_space<vmem>>, %arg7: memref<1000x12xf32, #tpu.memory_space<vmem>>) attributes {dimension_semantics = [#tpu.dimension_semantics<arbitrary>], iteration_bounds = array<i64: 10>, scalar_prefetch = 0 : i64, scratch_operands = 0 : i64, tpu.core_type = #tpu.core_type<tc>, window_params = [{transform_indices = @transform_0, window_bounds = array<i64: 1000, 128>}, {pipeline_mode = #tpu.pipeline_mode<synchronous>, transform_indices = @transform_1, window_bounds = array<i64: 128, 32>}, {pipeline_mode = #tpu.pipeline_mode<synchronous>, transform_indices = @transform_2, window_bounds = array<i64: 1, 32>}, {pipeline_mode = #tpu.pipeline_mode<synchronous>, transform_indices = @transform_3, window_bounds = array<i64: 128, 12>}, {pipeline_mode = #tpu.pipeline_mode<synchronous>, transform_indices = @transform_4, window_bounds = array<i64: 1, 12>}, {transform_indices = @transform_5, window_bounds = array<i64: 1000, 32>}, {transform_indices = @transform_6, window_bounds = array<i64: 1000, 12>}]} {
    %get3A = arith.constant 0 : index
    %get3A_0 = arith.constant 0 : index
    %get3A_1 = vector.load %arg1[%get3A, %get3A_0] : memref<1000x128xf32, #tpu.memory_space<vmem>>, vector<1000x128xf32>
    %get3A_2 = arith.constant 0 : index
    %get3A_3 = arith.constant 0 : index
    %get3A_4 = vector.load %arg2[%get3A_2, %get3A_3] : memref<128x32xf32, #tpu.memory_space<vmem>>, vector<128x32xf32>
    %dot_general3A = arith.constant dense<0.000000e+00> : vector<1000x32xf32>
    %dot_general3A_5 = tpu.matmul %get3A_1, %get3A_4, %dot_general3A {dimension_numbers = #tpu.dot_dimension_numbers<[1], [0], [0], [1], [0, 0, 1, 1], [], []>, transpose_lhs_hint = false} : vector<1000x128xf32>, vector<128x32xf32>, vector<1000x32xf32> -> vector<1000x32xf32>
    %get3A_6 = arith.constant 0 : index
    %get3A_7 = arith.constant 0 : index
    %get3A_8 = vector.load %arg3[%get3A_6, %get3A_7] : memref<1x32xf32, #tpu.memory_space<vmem>>, vector<1x32xf32>
    %add3A = vector.broadcast %get3A_8 : vector<1x32xf32> to vector<1000x32xf32>
    %add3A_9 = arith.addf %dot_general3A_5, %add3A : vector<1000x32xf32>
    %max3A = arith.constant 0.000000e+00 : f32
    %max3A_10 = vector.broadcast %max3A : f32 to vector<1000x32xf32>
    %max3A_11 = arith.maximumf %add3A_9, %max3A_10 : vector<1000x32xf32>
    %swap3A = arith.constant 0 : index
    %swap3A_12 = arith.constant 0 : index
    %swap3A_13 = vector.load %arg6[%swap3A, %swap3A_12] : memref<1000x32xf32, #tpu.memory_space<vmem>>, vector<1000x32xf32>
    tpu.vector_store %arg6[%swap3A, %swap3A_12], %max3A_11 {strides = array<i32>} : memref<1000x32xf32, #tpu.memory_space<vmem>>, vector<1000x32xf32>,
    %get3A_14 = arith.constant 0 : index
    %get3A_15 = arith.constant 0 : index
    %get3A_16 = vector.load %arg4[%get3A_14, %get3A_15] : memref<128x12xf32, #tpu.memory_space<vmem>>, vector<128x12xf32>
    %dot_general3A_17 = arith.constant dense<0.000000e+00> : vector<1000x12xf32>
    %dot_general3A_18 = tpu.matmul %get3A_1, %get3A_16, %dot_general3A_17 {dimension_numbers = #tpu.dot_dimension_numbers<[1], [0], [0], [1], [0, 0, 1, 1], [], []>, transpose_lhs_hint = false} : vector<1000x128xf32>, vector<128x12xf32>, vector<1000x12xf32> -> vector<1000x12xf32>
    %get3A_19 = arith.constant 0 : index
    %get3A_20 = arith.constant 0 : index
    %get3A_21 = vector.load %arg5[%get3A_19, %get3A_20] : memref<1x12xf32, #tpu.memory_space<vmem>>, vector<1x12xf32>
    %add3A_22 = vector.broadcast %get3A_21 : vector<1x12xf32> to vector<1000x12xf32>
    %add3A_23 = arith.addf %dot_general3A_18, %add3A_22 : vector<1000x12xf32>
    %swap3A_24 = arith.constant 0 : index
    %swap3A_25 = arith.constant 0 : index
    %swap3A_26 = vector.load %arg7[%swap3A_24, %swap3A_25] : memref<1000x12xf32, #tpu.memory_space<vmem>>, vector<1000x12xf32>
    tpu.vector_store %arg7[%swap3A_24, %swap3A_25], %add3A_23 {strides = array<i32>} : memref<1000x12xf32, #tpu.memory_space<vmem>>, vector<1000x12xf32>,
    return
  }
  func.func @transform_0(%arg0: i32) -> (i32, i32) {
    %c0_i32 = arith.constant 0 : i32
    %c0_i32_0 = arith.constant 0 : i32
    return %arg0, %c0_i32 : i32, i32
  }
  func.func @transform_1(%arg0: i32) -> (i32, i32) {
    %c0_i32 = arith.constant 0 : i32
    %c0_i32_0 = arith.constant 0 : i32
    %c0_i32_1 = arith.constant 0 : i32
    return %c0_i32, %c0_i32_0 : i32, i32
  }
  func.func @transform_2(%arg0: i32) -> (i32, i32) {
    %c0_i32 = arith.constant 0 : i32
    %c0_i32_0 = arith.constant 0 : i32
    %c0_i32_1 = arith.constant 0 : i32
    return %c0_i32, %c0_i32_0 : i32, i32
  }
  func.func @transform_3(%arg0: i32) -> (i32, i32) {
    %c0_i32 = arith.constant 0 : i32
    %c0_i32_0 = arith.constant 0 : i32
    %c0_i32_1 = arith.constant 0 : i32
    return %c0_i32, %c0_i32_0 : i32, i32
  }
  func.func @transform_4(%arg0: i32) -> (i32, i32) {
    %c0_i32 = arith.constant 0 : i32
    %c0_i32_0 = arith.constant 0 : i32
    %c0_i32_1 = arith.constant 0 : i32
    return %c0_i32, %c0_i32_0 : i32, i32
  }
  func.func @transform_5(%arg0: i32) -> (i32, i32) {
    %c0_i32 = arith.constant 0 : i32
    %c0_i32_0 = arith.constant 0 : i32
    return %arg0, %c0_i32 : i32, i32
  }
  func.func @transform_6(%arg0: i32) -> (i32, i32) {
    %c0_i32 = arith.constant 0 : i32
    %c0_i32_0 = arith.constant 0 : i32
    return %arg0, %c0_i32 : i32, i32
  }
}

module attributes {stable_mosaic.version = 14 : i64} {
  func.func @_stage3_body(%arg0: memref<10000x32xf32, #tpu.memory_space<vmem>>, %arg1: memref<2x10000x32xf32, #tpu.memory_space<vmem>>, %arg2: memref<10000x12xf32, #tpu.memory_space<vmem>>, %arg3: memref<10000x1xf32, #tpu.memory_space<vmem>>, %arg4: memref<33x1xf32, #tpu.memory_space<vmem>>, %arg5: memref<1x1xf32, #tpu.memory_space<vmem>>, %arg6: memref<12x128xf32, #tpu.memory_space<vmem>>, %arg7: memref<1x128xf32, #tpu.memory_space<vmem>>, %arg8: memref<128x128xf32, #tpu.memory_space<vmem>>, %arg9: memref<1x128xf32, #tpu.memory_space<vmem>>, %arg10: memref<128x1xf32, #tpu.memory_space<vmem>>, %arg11: memref<1x1xf32, #tpu.memory_space<vmem>>, %arg12: memref<128x4xf32, #tpu.memory_space<vmem>>, %arg13: memref<1x4xf32, #tpu.memory_space<vmem>>, %arg14: memref<1x4xf32, #tpu.memory_space<vmem>>, %arg15: memref<1x1xf32, #tpu.memory_space<vmem>>) attributes {dimension_semantics = [], scalar_prefetch = 0 : i64, scratch_operands = 0 : i64, tpu.core_type = #tpu.core_type<tc>} {
    %get3A = arith.constant 0 : index
    %get3A_0 = arith.constant 0 : index
    %get3A_1 = arith.constant 0 : index
    %get3A_2 = vector.load %arg1[%get3A, %get3A_0, %get3A_1] : memref<2x10000x32xf32, #tpu.memory_space<vmem>>, vector<1x10000x32xf32>
    %get3A_3 = vector.shape_cast %get3A_2 : vector<1x10000x32xf32> to vector<10000x32xf32>
    %get3A_4 = arith.constant 1 : index
    %get3A_5 = arith.constant 0 : index
    %get3A_6 = arith.constant 0 : index
    %get3A_7 = vector.load %arg1[%get3A_4, %get3A_5, %get3A_6] : memref<2x10000x32xf32, #tpu.memory_space<vmem>>, vector<1x10000x32xf32>
    %get3A_8 = vector.shape_cast %get3A_7 : vector<1x10000x32xf32> to vector<10000x32xf32>
    %add3A = arith.addf %get3A_3, %get3A_8 : vector<10000x32xf32>
    %get3A_9 = arith.constant 0 : index
    %get3A_10 = arith.constant 0 : index
    %get3A_11 = vector.load %arg0[%get3A_9, %get3A_10] : memref<10000x32xf32, #tpu.memory_space<vmem>>, vector<10000x32xf32>
    %add3A_12 = arith.addf %get3A_11, %add3A : vector<10000x32xf32>
    %get3A_13 = arith.constant 0 : index
    %get3A_14 = arith.constant 0 : index
    %get3A_15 = vector.load %arg3[%get3A_13, %get3A_14] : memref<10000x1xf32, #tpu.memory_space<vmem>>, vector<10000x1xf32>
    %concatenate3A = tpu.concatenate %add3A_12, %get3A_15 in 1 : vector<10000x32xf32>, vector<10000x1xf32> -> vector<10000x33xf32>
    %get3A_16 = arith.constant 0 : index
    %get3A_17 = arith.constant 0 : index
    %get3A_18 = vector.load %arg4[%get3A_16, %get3A_17] : memref<33x1xf32, #tpu.memory_space<vmem>>, vector<33x1xf32>
    %dot_general3A = arith.constant dense<0.000000e+00> : vector<10000x1xf32>
    %dot_general3A_19 = tpu.matmul %concatenate3A, %get3A_18, %dot_general3A {dimension_numbers = #tpu.dot_dimension_numbers<[1], [0], [0], [1], [0, 0, 1, 1], [], []>, transpose_lhs_hint = false} : vector<10000x33xf32>, vector<33x1xf32>, vector<10000x1xf32> -> vector<10000x1xf32>
    %get3A_20 = arith.constant 0 : index
    %get3A_21 = arith.constant 0 : index
    %get3A_22 = vector.load %arg5[%get3A_20, %get3A_21] : memref<1x1xf32, #tpu.memory_space<vmem>>, vector<1x1xf32>
    %add3A_23 = vector.broadcast %get3A_22 : vector<1x1xf32> to vector<10000x1xf32>
    %add3A_24 = arith.addf %dot_general3A_19, %add3A_23 : vector<10000x1xf32>
    %reduce_max3A = vector.shape_cast %add3A_24 : vector<10000x1xf32> to vector<1x10000x1xf32>
    %reduce_max3A_25 = arith.constant dense<0xFF800000> : vector<1xf32>
    %reduce_max3A_26 = vector.multi_reduction <maximumf>, %reduce_max3A, %reduce_max3A_25 [1, 2] : vector<1x10000x1xf32> to vector<1xf32>
    %reduce_max3A_27 = vector.shape_cast %reduce_max3A_26 : vector<1xf32> to vector<1x1x1xf32>
    %reduce_max3A_28 = vector.extract %reduce_max3A_27[0, 0, 0] : f32 from vector<1x1x1xf32>
    %sub3A = vector.broadcast %reduce_max3A_28 : f32 to vector<10000x1xf32>
    %sub3A_29 = arith.subf %add3A_24, %sub3A : vector<10000x1xf32>
    %exp3A = math.exp %sub3A_29 : vector<10000x1xf32>
    %reduce_sum3A = vector.shape_cast %exp3A : vector<10000x1xf32> to vector<1x10000x1xf32>
    %reduce_sum3A_30 = arith.constant dense<0.000000e+00> : vector<1xf32>
    %reduce_sum3A_31 = vector.multi_reduction <add>, %reduce_sum3A, %reduce_sum3A_30 [1, 2] : vector<1x10000x1xf32> to vector<1xf32>
    %reduce_sum3A_32 = vector.shape_cast %reduce_sum3A_31 : vector<1xf32> to vector<1x1x1xf32>
    %reduce_sum3A_33 = vector.extract %reduce_sum3A_32[0, 0, 0] : f32 from vector<1x1x1xf32>
    %div3A = vector.broadcast %reduce_sum3A_33 : f32 to vector<10000x1xf32>
    %div3A_34 = arith.divf %exp3A, %div3A : vector<10000x1xf32>
    %get3A_35 = arith.constant 0 : index
    %get3A_36 = arith.constant 0 : index
    %get3A_37 = vector.load %arg2[%get3A_35, %get3A_36] : memref<10000x12xf32, #tpu.memory_space<vmem>>, vector<10000x12xf32>
    %mul3A = vector.broadcast %div3A_34 : vector<10000x1xf32> to vector<10000x12xf32>
    %mul3A_38 = arith.mulf %get3A_37, %mul3A : vector<10000x12xf32>
    %reduce_sum3A_39 = arith.constant dense<0.000000e+00> : vector<12xf32>
    %reduce_sum3A_40 = vector.multi_reduction <add>, %mul3A_38, %reduce_sum3A_39 [0] : vector<10000x12xf32> to vector<12xf32>
    %broadcast_in_dim3A = vector.shape_cast %reduce_sum3A_40 : vector<12xf32> to vector<1x12xf32>
    %transpose3A = tpu.transpose %broadcast_in_dim3A, [1, 0] : vector<1x12xf32> -> vector<12x1xf32>
    %get3A_41 = arith.constant 0 : index
    %get3A_42 = arith.constant 0 : index
    %get3A_43 = vector.load %arg6[%get3A_41, %get3A_42] : memref<12x128xf32, #tpu.memory_space<vmem>>, vector<12x128xf32>
    %mul3A_44 = vector.broadcast %transpose3A : vector<12x1xf32> to vector<12x128xf32>
    %mul3A_45 = arith.mulf %get3A_43, %mul3A_44 : vector<12x128xf32>
    %reduce_sum3A_46 = arith.constant dense<0.000000e+00> : vector<128xf32>
    %reduce_sum3A_47 = vector.multi_reduction <add>, %mul3A_45, %reduce_sum3A_46 [0] : vector<12x128xf32> to vector<128xf32>
    %broadcast_in_dim3A_48 = vector.shape_cast %reduce_sum3A_47 : vector<128xf32> to vector<1x128xf32>
    %get3A_49 = arith.constant 0 : index
    %get3A_50 = arith.constant 0 : index
    %get3A_51 = vector.load %arg7[%get3A_49, %get3A_50] : memref<1x128xf32, #tpu.memory_space<vmem>>, vector<1x128xf32>
    %add3A_52 = arith.addf %broadcast_in_dim3A_48, %get3A_51 : vector<1x128xf32>
    %max3A = arith.constant 0.000000e+00 : f32
    %max3A_53 = vector.broadcast %max3A : f32 to vector<1x128xf32>
    %max3A_54 = arith.maximumf %add3A_52, %max3A_53 : vector<1x128xf32>
    %transpose3A_55 = tpu.transpose %max3A_54, [1, 0] : vector<1x128xf32> -> vector<128x1xf32>
    %get3A_56 = arith.constant 0 : index
    %get3A_57 = arith.constant 0 : index
    %get3A_58 = vector.load %arg8[%get3A_56, %get3A_57] : memref<128x128xf32, #tpu.memory_space<vmem>>, vector<128x128xf32>
    %mul3A_59 = vector.broadcast %transpose3A_55 : vector<128x1xf32> to vector<128x128xf32>
    %mul3A_60 = arith.mulf %get3A_58, %mul3A_59 : vector<128x128xf32>
    %reduce_sum3A_61 = arith.constant dense<0.000000e+00> : vector<128xf32>
    %reduce_sum3A_62 = vector.multi_reduction <add>, %mul3A_60, %reduce_sum3A_61 [0] : vector<128x128xf32> to vector<128xf32>
    %broadcast_in_dim3A_63 = vector.shape_cast %reduce_sum3A_62 : vector<128xf32> to vector<1x128xf32>
    %get3A_64 = arith.constant 0 : index
    %get3A_65 = arith.constant 0 : index
    %get3A_66 = vector.load %arg9[%get3A_64, %get3A_65] : memref<1x128xf32, #tpu.memory_space<vmem>>, vector<1x128xf32>
    %add3A_67 = arith.addf %broadcast_in_dim3A_63, %get3A_66 : vector<1x128xf32>
    %max3A_68 = arith.constant 0.000000e+00 : f32
    %max3A_69 = vector.broadcast %max3A_68 : f32 to vector<1x128xf32>
    %max3A_70 = arith.maximumf %add3A_67, %max3A_69 : vector<1x128xf32>
    %transpose3A_71 = tpu.transpose %max3A_70, [1, 0] : vector<1x128xf32> -> vector<128x1xf32>
    %get3A_72 = arith.constant 0 : index
    %get3A_73 = arith.constant 0 : index
    %get3A_74 = vector.load %arg10[%get3A_72, %get3A_73] : memref<128x1xf32, #tpu.memory_space<vmem>>, vector<128x1xf32>
    %mul3A_75 = arith.mulf %transpose3A_71, %get3A_74 : vector<128x1xf32>
    %reduce_sum3A_76 = arith.constant dense<0.000000e+00> : vector<1xf32>
    %reduce_sum3A_77 = vector.multi_reduction <add>, %mul3A_75, %reduce_sum3A_76 [0] : vector<128x1xf32> to vector<1xf32>
    %broadcast_in_dim3A_78 = vector.shape_cast %reduce_sum3A_77 : vector<1xf32> to vector<1x1xf32>
    %get3A_79 = arith.constant 0 : index
    %get3A_80 = arith.constant 0 : index
    %get3A_81 = vector.load %arg11[%get3A_79, %get3A_80] : memref<1x1xf32, #tpu.memory_space<vmem>>, vector<1x1xf32>
    %add3A_82 = arith.addf %broadcast_in_dim3A_78, %get3A_81 : vector<1x1xf32>
    %swap3A = arith.constant 0 : index
    %swap3A_83 = arith.constant 0 : index
    %swap3A_84 = vector.load %arg15[%swap3A, %swap3A_83] : memref<1x1xf32, #tpu.memory_space<vmem>>, vector<1x1xf32>
    tpu.vector_store %arg15[%swap3A, %swap3A_83], %add3A_82 {strides = array<i32>} : memref<1x1xf32, #tpu.memory_space<vmem>>, vector<1x1xf32>,
    %get3A_85 = arith.constant 0 : index
    %get3A_86 = arith.constant 0 : index
    %get3A_87 = vector.load %arg12[%get3A_85, %get3A_86] : memref<128x4xf32, #tpu.memory_space<vmem>>, vector<128x4xf32>
    %mul3A_88 = vector.broadcast %transpose3A_71 : vector<128x1xf32> to vector<128x4xf32>
    %mul3A_89 = arith.mulf %mul3A_88, %get3A_87 : vector<128x4xf32>
    %reduce_sum3A_90 = arith.constant dense<0.000000e+00> : vector<4xf32>
    %reduce_sum3A_91 = vector.multi_reduction <add>, %mul3A_89, %reduce_sum3A_90 [0] : vector<128x4xf32> to vector<4xf32>
    %broadcast_in_dim3A_92 = vector.shape_cast %reduce_sum3A_91 : vector<4xf32> to vector<1x4xf32>
    %get3A_93 = arith.constant 0 : index
    %get3A_94 = arith.constant 0 : index
    %get3A_95 = vector.load %arg13[%get3A_93, %get3A_94] : memref<1x4xf32, #tpu.memory_space<vmem>>, vector<1x4xf32>
    %add3A_96 = arith.addf %broadcast_in_dim3A_92, %get3A_95 : vector<1x4xf32>
    %div3A_97 = arith.constant 1.000000e+01 : f32
    %div3A_98 = vector.broadcast %div3A_97 : f32 to vector<1x4xf32>
    %div3A_99 = arith.divf %add3A_96, %div3A_98 : vector<1x4xf32>
    %swap3A_100 = arith.constant 0 : index
    %swap3A_101 = arith.constant 0 : index
    %swap3A_102 = vector.load %arg14[%swap3A_100, %swap3A_101] : memref<1x4xf32, #tpu.memory_space<vmem>>, vector<1x4xf32>
    tpu.vector_store %arg14[%swap3A_100, %swap3A_101], %div3A_99 {strides = array<i32>} : memref<1x4xf32, #tpu.memory_space<vmem>>, vector<1x4xf32>,
    return
  }
}

</mosaic_0001>

<sc_bundles>
// kernel: kernel.5.cloned.1.call-start
scs
__scs_entry_jumppad:
0x0: {  	(pc) =	sbr.rel $0x88, $3  }
0x1: {  	(tag) =	ssettag $0x0;
	lr =	simm.s32 $0x1  }
0x2: {  	[smem:$0x3F90] =	sst lr;
	_ =	strace $0xD0000000  }
0x3: {  	_ = 	snop  }
0x4: {  	_ = 	snop  }
0x5: {  	_ = 	snop  }
0x6: {  	_ = 	snop  }
0x7: {  	_ = 	snop  }
__scs_overlays_trampoline_lowered:
0x8: {  	[smem:$0x3F9F] =	sst s0  }
0x9: {  	[smem:$0x3FA0] =	sst s1  }
0xa: {  	[smem:$0x3FA1] =	sst s2  }
0xb: {  	[smem:$0x3FA2] =	sst s3  }
0xc: {  	[smem:$0x3FA3] =	sst s4  }
0xd: {  	[smem:$0x3FA4] =	sst s5  }
0xe: {  	[smem:$0x3FA5] =	sst s6  }
0xf: {  	[smem:$0x3FA6] =	sst s7  }
0x10: {  	[smem:$0x3FA7] =	sst s8  }
0x11: {  	[smem:$0x3FA8] =	sst s9;
	s0 =	simm.s32 @!p0 $0x0  }
0x12: {  	s1 =	sld [smem:$0x3F8E];
	s0 =	simm.s32 @p0 $0x1  }
0x13: {  	[smem:$0x3FA9] =	sst s0;
	s0 =	simm.s32 @!p1 $0x0  }
0x14: {  	s2 =	sld [smem:$0x3F8D];
	s0 =	simm.s32 @p1 $0x1  }
0x15: {  	[smem:$0x3FAA] =	sst s0;
	s0 =	simm.s32 @!p2 $0x0  }
0x16: {  	s3 =	sld [smem:$0x3FDB];
	s0 =	simm.s32 @p2 $0x1  }
0x17: {  	s4 =	simm.s32 $0x1BF5;
	[smem:$0x3FAC] =	sst s0  }
0x18: {  	s0 =	sld [smem:$0x3F8F];
	_ =	swait.ge [sflag:s4], $0x0  }
0x19: {  	s7 =	sld [smem:$0x3F90]  }
0x1a: {  	s8 =	sadd.s32 $0xFFFFE003, lr  }
0x1b: {  	s9 =	sadd.s32 $0xFFFFFEF7, lr;
	s5 =	simm.s32 $0xFFFFFFFF;
	p2 =	slt.u32 s8, $0xFFFFF086  }
0x1c: {  	p1 =	slt.u32 s9, $0xF7A;
	s5 =	simm.s32 @!p2 $0x0  }
0x1d: {  	s5 =	simm.s32 @p1 $0x1;
	p0 =	seq.s32 s7, s2  }
0x1e: {  	s7 =	smul.u32 @!p0 $0xF7A, s2;
	p2 =	seq.s32 @!p0 s5, $0x0  }
0x1f: {  	s9 =	smul.u32 $0xF7A, s1;
	s8 =	simm.s32 @!p0 $0x1BF5;
	p2 =	por !p2, p0  }
0x20: {  	[sflag:s8] =	ssyncset.s32 @!p0 $0xFFFFF086;
	s6 =	sadd.s32 @!p0 s3, s7;
	s7 =	simm.s32 @!p0 $0x108  }
0x21: {  	s3 =	sadd.s32 s3, s9;
	s6 =	sadd.s32 @!p0 $0x88, s6;
	s7 =	simm.s32 @p2 $0x1082  }
0x22: {  	[simem:s7], [sflag:s8] =	dma.local @!p0 [hbm:s6], $0xF7A  }
0x23: {  	s9 =	sor.u32 $0xD0000000, s2;
	s6 =	simm.s32 $0x108;
	_ =	swait.ge @!p0 [sflag:s8], $0x0  }
0x24: {  	s3 =	sadd.s32 $0x88, s3;
	s6 =	simm.s32 @!p1 $0x1082;
	[sflag:s4] =	ssyncset.s32 $0xFFFFF086  }
0x25: {  	[simem:s6], [sflag:s4] =	dma.local [hbm:s3], $0xF7A  }
0x26: {  	[smem:$0x3F90] =	sst s1;
	(tag) =	ssettag s2;
	_ =	strace s9  }
0x27: {  	s1 =	sld [smem:$0x3FA0]  }
0x28: {  	s2 =	sld [smem:$0x3FA1]  }
0x29: {  	s4 =	sld [smem:$0x3FA3]  }
0x2a: {  	p0 =	seq.s32 s5, $0x0;
	s5 =	sld [smem:$0x3FA4]  }
0x2b: {  	s6 =	sld [smem:$0x3FA5]  }
0x2c: {  	s7 =	sld [smem:$0x3FA6]  }
0x2d: {  	s3 =	simm.s32 $0x108;
	s8 =	sld [smem:$0x3FA7]  }
0x2e: {  	s3 =	simm.s32 @!p0 $0x1082;
	s9 =	sld [smem:$0x3FA8]  }
0x2f: {  	lr =	sadd.s32 s0, s3;
	s0 =	sld [smem:$0x3F9F]  }
0x30: {  	s3 =	sld [smem:$0x3FA2]  }
0x31: {  	[smem:$0x3FAB] =	sst s10  }
0x32: {  	s10 =	sld [smem:$0x3FA9];
	_ =	sdelay $0x3  }
0x33: {  	p0 =	seq.s32 s10, $0x1;
	s10 =	sld [smem:$0x3FAB];
	_ =	sdelay $0x3  }
0x34: {  	[smem:$0x3FAB] =	sst s10  }
0x35: {  	s10 =	sld [smem:$0x3FAA];
	_ =	sdelay $0x3  }
0x36: {  	p1 =	seq.s32 s10, $0x1;
	s10 =	sld [smem:$0x3FAB];
	_ =	sdelay $0x3  }
0x37: {  	[smem:$0x3FAB] =	sst s10  }
0x38: {  	s10 =	sld [smem:$0x3FAC]  }
0x39: {  	_ = 	snop;
	(pc) =	sbr.ind lr, $3  }
0x3a: {  	_ = 	snop  }
0x3b: {  	_ = 	snop  }
0x3c: {  	p2 =	seq.s32 s10, $0x1;
	s10 =	sld [smem:$0x3FAB]  }
0x3d: {  	_ =	shalt  }
0x3e: {  	_ =	shalt  }
0x3f: {  	_ =	shalt  }
0x40: {  	_ =	shalt  }
0x41: {  	_ =	shalt  }
0x42: {  	_ =	shalt  }
0x43: {  	_ =	shalt  }
0x44: {  	_ =	shalt  }
0x45: {  	_ =	shalt  }
0x46: {  	_ =	shalt  }
0x47: {  	_ =	shalt  }
0x48: {  	_ =	shalt  }
0x49: {  	_ =	shalt  }
0x4a: {  	_ =	shalt  }
0x4b: {  	_ =	shalt  }
0x4c: {  	_ =	shalt  }
0x4d: {  	_ =	shalt  }
0x4e: {  	_ =	shalt  }
0x4f: {  	_ =	shalt  }
0x50: {  	_ =	shalt  }
0x51: {  	_ =	shalt  }
0x52: {  	_ =	shalt  }
0x53: {  	_ =	shalt  }
0x54: {  	_ =	shalt  }
0x55: {  	_ =	shalt  }
0x56: {  	_ =	shalt  }
0x57: {  	_ =	shalt  }
0x58: {  	_ =	shalt  }
0x59: {  	_ =	shalt  }
0x5a: {  	_ =	shalt  }
0x5b: {  	_ =	shalt  }
0x5c: {  	_ =	shalt  }
0x5d: {  	_ =	shalt  }
0x5e: {  	_ =	shalt  }
0x5f: {  	_ =	shalt  }
0x60: {  	_ =	shalt  }
0x61: {  	_ =	shalt  }
0x62: {  	_ =	shalt  }
0x63: {  	_ =	shalt  }
0x64: {  	_ =	shalt  }
0x65: {  	_ =	shalt  }
0x66: {  	_ =	shalt  }
0x67: {  	_ =	shalt  }
0x68: {  	_ =	shalt  }
0x69: {  	_ =	shalt  }
0x6a: {  	_ =	shalt  }
0x6b: {  	_ =	shalt  }
0x6c: {  	_ =	shalt  }
0x6d: {  	_ =	shalt  }
0x6e: {  	_ =	shalt  }
0x6f: {  	_ =	shalt  }
0x70: {  	_ =	shalt  }
0x71: {  	_ =	shalt  }
0x72: {  	_ =	shalt  }
0x73: {  	_ =	shalt  }
0x74: {  	_ =	shalt  }
0x75: {  	_ =	shalt  }
0x76: {  	_ =	shalt  }
0x77: {  	_ =	shalt  }
0x78: {  	_ =	shalt  }
0x79: {  	_ =	shalt  }
0x7a: {  	_ =	shalt  }
0x7b: {  	_ =	shalt  }
0x7c: {  	_ =	shalt  }
0x7d: {  	_ =	shalt  }
0x7e: {  	_ =	shalt  }
0x7f: {  	_ =	shalt  }
0x80: {  	_ =	shalt  }
0x81: {  	_ =	shalt  }
0x82: {  	_ =	shalt  }
0x83: {  	_ =	shalt  }
0x84: {  	_ =	shalt  }
0x85: {  	_ =	shalt  }
0x86: {  	_ =	shalt  }
0x87: {  	_ =	shalt  }
.Lfunc_end0:
.L_simem_size_0:
called_computation_lowered:
.L_overlay_start_0:
0x88: {  	s2 =	sld [smem:$0x3FD9]  }
0x89: {  	s3 =	sld [smem:$0x3FFE];
	_ =	sdelay $0x1  }
0x8a: {  	s1 =	srdreg.scid  }
0x8b: {  	s0 =	sand.u32 $0x1, s1  }
0x8c: {  	s16 =	sshll.u32 s0, $0xA;
	s2 =	sadd.s32 s3, s2  }
0x8d: {  	s2 =	sadd.s32 s2, s16  }
0x8e: {  	[smem:$0x3FB7] =	sst s2  }
0x8f: {  	_ = 	snop  }
0x90: {  	(tm) =	ssettm $0x1  }
0x91: {  	s17 =	sld [smem:$0x3FFB];
	_ =	sdelay $0x3  }
0x92: {  	_ =	strace s17  }
0x93: {  	s2 =	sld [smem:$0x3FFC];
	_ =	sdelay $0x3  }
0x94: {  	_ =	strace s2  }
0x95: {  	s2 =	sld [smem:$0x3FFD];
	_ =	sdelay $0x3  }
0x96: {  	_ =	strace s2  }
0x97: {  	_ =	strace $0x8FFFFFFF  }
0x98: {  	s18 =	sld [smem:$0x3FDB];
	_ =	sdelay $0x1  }
0x99: {  	s19 =	simm.s32 $_scs_section_size  }
0x9a: {  	s4 =	simm.s32 $_size__tile_overlayer_lowered;
	s5 =	simm.s32 $_tile_overlayer_lowered  }
0x9b: {  	s22 =	simm.s32 $0x1BFF;
	s21 =	sshll.u32 s5, $0x1;
	s2 =	sadd.s32 s19, s18  }
0x9c: {  	s6 =	simm.s32 $0x0;
	s20 =	sshll.u32 s4, $0x1;
	s4 =	sadd.s32 s21, s2  }
0x9d: {  	[timem:s6], [sflag:s22] =	dma.local [hbm:s4], s20  }
0x9e: {  	_ =	swait.ge [sflag:s22], s20  }
0x9f: {  	s3 =	ssub.s32 $0x0, s20;
	[sflag:s22] =	ssyncset.done $0x0  }
0xa0: {  	[sflag:s22] =	ssyncadd.s32 s3;
	_ =	sdelay $0x1  }
0xa1: {  	s23 =	simm.s32 $0x1B8B  }
0xa2: {  	_ =	swait.ge [sflag:s23], $0x1  }
0xa3: {  	[sflag:s23] =	ssyncset.done $0x0  }
0xa4: {  	s25 =	simm.s32 $0x1B8E;
	s24 =	sld [smem:$0x3FFE];
	[sflag:s23] =	ssyncadd.s32 $0xFFFFFFFF  }
0xa5: {  	s26 =	simm.s32 $execute0_lowered;
	[smem:$0x3FD2] =	sst s25  }
0xa6: {  	s4 =	sshll.u32 s26, $0x1;
	_ =	strace $0x80000046;
	[dreg:$0x1] =	wrdreg $0xFFFFFFFF  }
0xa7: {  	s28 =	simm.s32 $_size_execute0_lowered;
	s2 =	sadd.s32 s2, s4;
	[dreg:$0x0] =	wrdreg $0x0  }
0xa8: {  	s4 =	sshll.u32 s28, $0x1;
	[dreg:$0x2] =	wrdreg s2  }
0xa9: {  	[dreg:$0x3] =	wrdreg s4  }
0xaa: {  	[dreg:$0x4] =	wrdreg $0xC0  }
0xab: {  	_ =	task [dreg:s6], $0x5FFFF  }
0xac: {  	[dreg:$0x1] =	wrdreg $0xFFFFFFFF  }
0xad: {  	[dreg:$0x0] =	wrdreg $0x60  }
0xae: {  	[dreg:$0x2] =	wrdreg s24  }
0xaf: {  	[dreg:$0x3] =	wrdreg $0x10B600  }
0xb0: {  	[dreg:$0x4] =	wrdreg $0xBD400  }
0xb1: {  	[dreg:$0x5] =	wrdreg $0x9  }
0xb2: {  	_ =	task.clear_ibuf [dreg:s6], $0x6FFFF;
	_ =	strace $0x90000046  }
0xb3: {  	s29 =	simm.s32 $0x9;
	_ =	strace $0x80000048  }
0xb4: {  	_ =	swait.ge [sflag:s29], $0x1  }
0xb5: {  	[sflag:s29] =	ssyncadd.s32 $0xFFFFFFFF  }
0xb6: {  	_ =	strace $0x90000048  }
0xb7: {  	_ =	sfence  }
0xb8: {  	s30 =	sld [smem:$0x0];
	_ =	sdelay $0x2  }
0xb9: {  	s31 =	sshll.u32 s1, $0xD;
	s1 =	sshrl.u32 s1, $0x2  }
0xba: {  	s3 =	sand.u32 $0x4000, s31;
	s1 =	sadd.s32 s1, s30  }
0xbb: {  	s0 =	sor.u32 s3, s0;
	s1 =	sshll.u32 s1, $0x11  }
0xbc: {  	s0 =	sor.u32 s1, s0  }
0xbd: {  	s0 =	sadd.s32 $0x8F2B, s0  }
0xbe: {  	[sflag:s0] =	ssyncadd.remote.s32 $0x1  }
0xbf: {  	_ =	sfence.sel $0xFFFF  }
0xc0: {  	[dreg:$0x0] =	wrdreg $0xFFFFFFFF;
	(pc) =	sbr.abs _section_cstart, $3  }
0xc1: {  	[dreg:$0x1] =	wrdreg $0xFFFFFFFF  }
0xc2: {  	_ =	task.clear_ibuf [dreg:s6], $0x2FFFF;
	_ =	strace $0x9FFFFFFF  }
0xc3: {  	(tm) =	ssettm $0x7FFFFFFF  }
tec
execute0_lowered:
.L_overlay_start_1:
0x0: {  	(tag) =	ssettag $0x1  }
0x1: {  	s8 =	rddreg [dreg:$0x0]  }
0x2: {  	s2 =	rddreg [dreg:$0x1]  }
0x3: {  	s3 =	rddreg [dreg:$0x2];
	s4 =	simm.s32 $0x0;
	s1 =	stileid.u32  }
0x4: {  	s5 =	srdreg.scid;
	s15 =	simm.s32 $0x2800;
	s19 =	simm.s32 $0x6F40  }
0x5: {  	s20 =	simm.s32 $0x7D;
	s21 =	simm.s32 $0x5000;
	s22 =	simm.s32 $0x1  }
0x6: {  	s23 =	simm.s32 $0x5FA0;
	s28 =	simm.s32 $0x4F80;
	s29 =	simm.s32 $0x0  }
0x7: {  	s9 =	smul.u32 $0x4E00, s1;
	s7 =	sand.u32 $0x1, s5;
	s24 =	sshll.u32 s1, $0x1  }
0x8: {  	[smem:$0x7FF] =	sst s4;
	s13 =	sadd.s32 $0x20000, s8;
	s18 =	sadd.s32 $0x4E000, s2  }
0x9: {  	p0 =	sne.s32 s1, $0xF;
	s16 =	sshll.u32 s1, $0x6;
	s5 =	sor.u32 s7, s24  }
0xa: {  	s10 =	ssub.s32 $0x2, s7;
	_ =	strace $0x80000047;
	s26 =	smul.u32 $0x4E200, s7  }
0xb: {  	s16 =	sor.u32 $0x1C03, s16;
	s18 =	sshrl.u32 @!p0 s18, $0x3;
	s24 =	simm.s32 $0x2  }
0xc: {  	s6 =	sshrl.u32 s9, $0x3;
	s5 =	smul.u32 $0x500, s5;
	s25 =	sshrl.u32 s10, $0x1  }
0xd: {  	s17 =	sadd.s32 s9, s2;
	s11 =	sadd.s32 s6, s8;
	s14 =	ssub.s32 s10, s25  }
0xe: {  	s30 =	sadd.s32 s9, s26;
	s10 =	sshrl.u32 s26, $0x3;
	s9 =	sadd.s32 s9, s3  }
0xf: {  	s17 =	sshrl.u32 s17, $0x3;
	s25 =	simm.s32 $0x2780;
	s26 =	simm.s32 $0x4F00  }
0x10: {  	s12 =	sadd.s32 s5, s8;
	s7 =	sadd.s32 $0x2200, s11;
	s8 =	sadd.s32 $0xBE00, s8  }
0x11: {  	s11 =	sshrl.u32 s30, $0x3;
	s31 =	sadd.s32 s13, s10;
	s10 =	sadd.s32 $0x4E000, s3  }
0x12: {  	s5 =	sadd.s32 $0x16000, s12;
	s6 =	sadd.s32 $0xC000, s12;
	s11 =	sadd.s32 s13, s11  }
0x13: {  	v0 =	vimm.f32 $0.0e+00;
	s12 =	sadd.s32 $0x9C00, s31;
	s13 =	smax.u32 s14, $0x1;
	s14 =	simm.s32 $0x3  }
.LBB2_1:
0x14: {  	[tilespmem:s4], [sflag:$0x3] =	stream.linear.gather [hbm4b:s5+s4], $0x2800, $0x38;
	[tilespmem:$0x15980] =	vst v63  }
0x15: {  	_ =	swait.ge [sflag:s14], $0x2800  }
0x16: {  	[sflag:s14] =	ssyncset.done $0x0  }
0x17: {  	[sflag:s14] =	ssyncadd.s32 $0xFFFFD800  }
0x18: {  	[tilespmem:s15], [sflag:$0x3] =	stream.linear.gather [hbm4b:s6+s4], $0x2800, $0x38;
	[tilespmem:$0x15980] =	vst v63  }
0x19: {  	_ =	swait.ge [sflag:s14], $0x2800  }
0x1a: {  	[sflag:s14] =	ssyncset.done $0x0  }
0x1b: {  	[sflag:s14] =	ssyncadd.s32 $0xFFFFD800  }
0x1c: {  	[spmem:s17], [sflag:s16] =	dma.local [hbm:s7], $0x9C0  }
0x1d: {  	_ =	swait.ge [sflag:s14], $0x9C0  }
0x1e: {  	[sflag:s14] =	ssyncset.done $0x0  }
0x1f: {  	s30 =	simm.s32 @!p0 $0x3;
	[sflag:s14] =	ssyncadd.s32 $0xFFFFF640  }
0x20: {  	[spmem:s18], [sflag:s16] =	dma.local @!p0 [hbm:s8], $0x40  }
0x21: {  	_ =	swait.ge @!p0 [sflag:s30], $0x40  }
0x22: {  	[sflag:s30] =	ssyncset.done @!p0 $0x0  }
0x23: {  	s31 =	simm.s32 $0x0;
	[sflag:s30] =	ssyncadd.s32 @!p0 $0xFFFFFFC0;
	s30 =	simm.s32 $0x80  }
.LBB2_2:
0x24: {  	p1 =	sne.s32 s30, $0x13780;
	[tilespmem:s31+$0x6F40] =	vst v0;
	s0 =	smov.u32 s30;
	s30 =	sadd.s32 $0x80, s30  }
.Ltmp0:
0x25: {  	[tilespmem:s31+$0x6F50] =	vst v0;
	(pc) =	sbr.rel @p1 .LBB2_2-.Ltmp0, $2  }
0x26: {  	_ =	sdelay $0x2  }
0x27: {  	s31 =	sshra.s32 s0, $0x2  }
0x28: {  	[tilespmem:s31+$0x6F40] =	vst v0  }
0x29: {  	[tilespmem:s31+$0x6F50] =	vst v0  }
0x2a: {  	[spmem:s9] =	stream.linear.scatter [tilespmem:s19], [sflag:$0x3], $0x4E00, $0x38;
	[tilespmem:$0x15980] =	vst v63  }
0x2b: {  	_ =	swait.ge [sflag:s14], $0x4E00  }
0x2c: {  	[sflag:s14] =	ssyncset.done $0x0  }
0x2d: {  	s0 =	simm.s32 @!p0 $0x6F40;
	[sflag:s14] =	ssyncadd.s32 $0xFFFFB200  }
0x2e: {  	[spmem:s10] =	stream.linear.scatter @!p0 [tilespmem:s0], [sflag:$0x3], $0x200, $0x38;
	[tilespmem:$0x15980] =	vst v63  }
0x2f: {  	s0 =	simm.s32 @!p0 $0x3  }
0x30: {  	_ =	swait.ge @!p0 [sflag:s0], $0x200  }
0x31: {  	[sflag:s0] =	ssyncset.done @!p0 $0x0  }
0x32: {  	[sflag:s0] =	ssyncadd.s32 @!p0 $0xFFFFFE00  }
0x33: {  	s31 =	simm.s32 $0x0;
	[bflag:$0x0] =	sbarrier.arrive $0xFFFF  }
0x34: {  	[tilespmem:s21], [sflag:$0x1] =	stream.indirect.gather [spmem:s2], $0x20, s31, s20, $0xb8;
	[tilespmem:$0x15980] =	vst v63  }
0x35: {  	_ =	swait.ge [sflag:s22], $0xFA0  }
0x36: {  	[sflag:s22] =	ssyncset.done $0x0  }
0x37: {  	s31 =	simm.s32 $0x80;
	[sflag:s22] =	ssyncadd.s32 $0xFFFFF060  }
0x38: {  	[tilespmem:s23], [sflag:$0x2] =	stream.indirect.gather [spmem:s2], $0x20, s31, s20, $0xb8;
	[tilespmem:$0x15980] =	vst v63  }
0x39: {  	s31 =	simm.s32 $0x2800  }
0x3a: {  	[spmem:s3] =	stream.indirect.scatter.add.f32 [tilespmem:s21], [sflag:$0x3], $0x20, s31, s20, $0xb8;
	[tilespmem:$0x15980] =	vst v63  }
0x3b: {  	_ =	swait.ge [sflag:s14], $0xFA0  }
0x3c: {  	[sflag:s14] =	ssyncset.done $0x0  }
0x3d: {  	[sflag:s14] =	ssyncadd.s32 $0xFFFFF060  }
0x3e: {  	_ =	swait.ge [sflag:s24], $0xFA0  }
0x3f: {  	[sflag:s24] =	ssyncset.done $0x0  }
0x40: {  	s31 =	simm.s32 $0x100;
	[sflag:s24] =	ssyncadd.s32 $0xFFFFF060  }
0x41: {  	[tilespmem:s21], [sflag:$0x1] =	stream.indirect.gather [spmem:s2], $0x20, s31, s20, $0xb8;
	[tilespmem:$0x15980] =	vst v63  }
0x42: {  	s31 =	simm.s32 $0x2880  }
0x43: {  	[spmem:s3] =	stream.indirect.scatter.add.f32 [tilespmem:s23], [sflag:$0x3], $0x20, s31, s20, $0xb8;
	[tilespmem:$0x15980] =	vst v63  }
0x44: {  	_ =	swait.ge [sflag:s14], $0xFA0  }
0x45: {  	s30 =	simm.s32 $0x400;
	[sflag:s14] =	ssyncset.done $0x0  }
.LBB2_4:
0x46: {  	p1 =	sne.s32 s30, $0x9800  }
0x47: {  	[sflag:s14] =	ssyncadd.s32 $0xFFFFF060;
	s0 =	smov.u32 s30;
	s30 =	sadd.s32 $0x400, s30  }
0x48: {  	_ = 	snop  }
0x49: {  	_ =	swait.ge [sflag:s22], $0xFA0  }
0x4a: {  	s0 =	sshra.s32 s0, $0x2;
	[sflag:s22] =	ssyncset.done $0x0  }
0x4b: {  	s31 =	sadd.s32 $0x80, s0;
	[sflag:s22] =	ssyncadd.s32 $0xFFFFF060  }
0x4c: {  	[tilespmem:s23], [sflag:$0x2] =	stream.indirect.gather [spmem:s2], $0x20, s31, s20, $0xb8;
	[tilespmem:$0x15980] =	vst v63  }
0x4d: {  	s31 =	sadd.s32 $0x2800, s0  }
0x4e: {  	[spmem:s3] =	stream.indirect.scatter.add.f32 [tilespmem:s21], [sflag:$0x3], $0x20, s31, s20, $0xb8;
	[tilespmem:$0x15980] =	vst v63  }
0x4f: {  	_ =	swait.ge [sflag:s14], $0xFA0  }
0x50: {  	[sflag:s14] =	ssyncset.done $0x0  }
0x51: {  	[sflag:s14] =	ssyncadd.s32 $0xFFFFF060  }
0x52: {  	_ =	swait.ge [sflag:s24], $0xFA0  }
0x53: {  	[sflag:s24] =	ssyncset.done $0x0  }
0x54: {  	s31 =	sadd.s32 $0x100, s0;
	[sflag:s24] =	ssyncadd.s32 $0xFFFFF060  }
0x55: {  	[tilespmem:s21], [sflag:$0x1] =	stream.indirect.gather [spmem:s2], $0x20, s31, s20, $0xb8;
	[tilespmem:$0x15980] =	vst v63  }
.Ltmp1:
0x56: {  	_ = 	snop;
	(pc) =	sbr.rel @p1 .LBB2_4-.Ltmp1, $4  }
0x57: {  	s0 =	sadd.s32 $0x2880, s0  }
0x58: {  	[spmem:s3] =	stream.indirect.scatter.add.f32 [tilespmem:s23], [sflag:$0x3], $0x20, s0, s20, $0xb8;
	[tilespmem:$0x15980] =	vst v63  }
0x59: {  	_ =	swait.ge [sflag:s14], $0xFA0  }
0x5a: {  	[sflag:s14] =	ssyncset.done $0x0  }
0x5b: {  	[sflag:s14] =	ssyncadd.s32 $0xFFFFF060  }
0x5c: {  	_ =	swait.ge [sflag:s22], $0xFA0  }
0x5d: {  	[sflag:s22] =	ssyncset.done $0x0  }
0x5e: {  	[sflag:s22] =	ssyncadd.s32 $0xFFFFF060  }
0x5f: {  	[tilespmem:s23], [sflag:$0x2] =	stream.indirect.gather [spmem:s2], $0x20, s25, s20, $0xb8;
	[tilespmem:$0x15980] =	vst v63  }
0x60: {  	_ = 	snop  }
0x61: {  	[spmem:s3] =	stream.indirect.scatter.add.f32 [tilespmem:s21], [sflag:$0x3], $0x20, s26, s20, $0xb8;
	[tilespmem:$0x15980] =	vst v63  }
0x62: {  	_ =	swait.ge [sflag:s14], $0xFA0  }
0x63: {  	[sflag:s14] =	ssyncset.done $0x0  }
0x64: {  	[sflag:s14] =	ssyncadd.s32 $0xFFFFF060  }
0x65: {  	_ =	swait.ge [sflag:s24], $0xFA0  }
0x66: {  	[sflag:s24] =	ssyncset.done $0x0  }
0x67: {  	[sflag:s24] =	ssyncadd.s32 $0xFFFFF060  }
0x68: {  	[spmem:s3] =	stream.indirect.scatter.add.f32 [tilespmem:s23], [sflag:$0x3], $0x20, s28, s20, $0xb8;
	[tilespmem:$0x15980] =	vst v63  }
0x69: {  	_ =	swait.ge [sflag:s14], $0xFA0  }
0x6a: {  	[sflag:s14] =	ssyncset.done $0x0  }
0x6b: {  	[sflag:s14] =	ssyncadd.s32 $0xFFFFF060  }
0x6c: {  	s0 =	sshrl.u32 s9, $0x3;
	[bflag:$0x0] =	sbarrier.arrive $0xFFFF  }
0x6d: {  	[hbm:s11], [sflag:s16] =	dma.local [spmem:s0], $0x9C0  }
0x6e: {  	_ =	swait.ge [sflag:s14], $0x9C0  }
0x6f: {  	s29 =	sadd.s32 $0x1, s29;
	[sflag:s14] =	ssyncset.done $0x0  }
0x70: {  	p1 =	sne.s32 s29, s13;
	s0 =	sshrl.u32 @!p0 s10, $0x3;
	[sflag:s14] =	ssyncadd.s32 $0xFFFFF640  }
0x71: {  	[hbm:s12], [sflag:s16] =	dma.local @!p0 [spmem:s0], $0x40  }
.Ltmp2:
0x72: {  	_ = 	snop;
	(pc) =	sbr.rel @p1 .LBB2_1-.Ltmp2, $4  }
0x73: {  	s0 =	simm.s32 @!p0 $0x3  }
0x74: {  	_ =	swait.ge @!p0 [sflag:s0], $0x40  }
0x75: {  	[sflag:s0] =	ssyncset.done @!p0 $0x0  }
0x76: {  	[sflag:s0] =	ssyncadd.s32 @!p0 $0xFFFFFFC0  }
0x77: {  	_ =	sfence.sel $0x180000  }
0x78: {  	[bflag:$0x0] =	sbarrier.arrive $0xFFFF  }
0x79: {  	_ =	strace $0x90000047  }
0x7a: {  	[bflag:$0x2] =	sbarrier.arrive $0xFFFF  }
0x7b: {  	p0 =	sne.s32 s1, $0x0;
	s0 =	rddreg [dreg:$0x3]  }
0x7c: {  	s0 =	sadd.s32 @!p0 $0x100000, s0  }
0x7d: {  	[sflag:s0] =	ssyncadd.tile.s32 @!p0 $0x1;
	_ =	shalt  }
.Lfunc_end2:
_tile_overlayer_lowered:
.L_overlay_start_2:
0x7e: {  	(tag) =	ssettag $0x2  }
0x7f: {  	s0 =	rddreg [dreg:$0x0];
	s2 =	stileid.u32  }
0x80: {  	s1 =	rddreg [dreg:$0x1];
	p0 =	sne.s32 s2, $0x0  }
0x81: {  	s3 =	rddreg [dreg:$0x2];
	[bflag:$0x3] =	sbarrier.arrive $0xFFFF;
	s2 =	simm.s32 @!p0 $0x1C03  }
0x82: {  	[timem:s3], [sflag:s2] =	dma.local @!p0 [hbm:s0], s1  }
0x83: {  	s0 =	simm.s32 @!p0 $0x3  }
0x84: {  	_ =	swait.ge @!p0 [sflag:s0], s1  }
0x85: {  	s1 =	ssub.s32 @!p0 $0x0, s1;
	[sflag:s0] =	ssyncset.done @!p0 $0x0  }
0x86: {  	[sflag:s0] =	ssyncadd.s32 @!p0 s1  }
0x87: {  	[bflag:$0x3] =	sbarrier.arrive $0xFFFF  }
0x88: {  	_ =	shalt  }

</sc_bundles>
